<compile_context>
chip_gen: v7x
topology: tpu7x:2x2x1
jax: 0.10.2.dev20260603
libtpu: 0.0.44.dev20260713+nightly
codegen_flags: <defaults>
</compile_context>

<pallas_src>
import functools

import jax
import jax.numpy as jnp
from jax import lax
from jax.experimental import pallas as pl
from jax.experimental.pallas import tpu as pltpu
from jax.experimental.pallas import tpu_sc as plsc

N_CODE = 1024
D_K = 256


_RB = 2048
_NCH = 128
_NCHUNKS = N_CODE // _NCH


def _make_dist_body(with_gather):
    def body(*refs):
        if with_gather:
            v_ref, cm2_ref, cn_ref, _hat_ref, z_ref, lsum_ref, cz_ref = refs
        else:
            v_ref, cm2_ref, cn_ref, z_ref, lsum_ref = refs
        i = pl.program_id(0)

        @pl.when(i == 0)
        def _init():
            lsum_ref[0, 0] = 0.0

        v = v_ref[...]
        cm2 = cm2_ref[...]
        s2 = lax.dot_general(v, cm2, (((1,), (1,)), ((), ())),
                             preferred_element_type=jnp.float32)
        vn = jnp.sum(v * v, axis=1, keepdims=True)
        cn = cn_ref[...]

        def chunk(j):
            lo, hi = j * _NCH, (j + 1) * _NCH
            return (vn + s2[:, lo:hi]) + cn[lo:hi][None, :]

        val = chunk(0)
        jwin = jnp.zeros((_RB, _NCH), jnp.int32)
        for j in range(1, _NCHUNKS):
            d = chunk(j)
            lt = d < val
            val = jnp.minimum(val, d)
            jwin = jnp.where(lt, j, jwin)
        g = jwin * _NCH + lax.broadcasted_iota(jnp.int32, (_RB, _NCH), 1)
        valT = val.T
        gT = g.T
        m = jnp.min(valT, axis=0, keepdims=True)
        z = jnp.min(jnp.where(valT == m, gT, N_CODE), axis=0)
        z_ref[...] = z.astype(jnp.int32)
        lsum_ref[0, 0] += jnp.sum(jnp.maximum(m, 0.0))
        if with_gather:
            zc = z[:, None]
            oh = jnp.where(
                lax.broadcasted_iota(jnp.int32, (_RB, N_CODE), 1) == zc,
                jnp.float32(1.0), jnp.float32(0.0))
            cz = lax.dot_general(oh, cm2, (((1,), (0,)), ((), ())),
                                 preferred_element_type=jnp.float32)
            cz_ref[...] = jnp.float32(-0.5) * cz

    return body


def _distances_argmin(v2, cm2, cn, part, n_part):
    steps = n_part // _RB
    z, lsum = pl.pallas_call(
        _make_dist_body(False),
        grid=(steps,),
        in_specs=[
            pl.BlockSpec((_RB, D_K), lambda i, p=part, s=steps: (p * s + i, 0)),
            pl.BlockSpec((N_CODE, D_K), lambda i: (0, 0)),
            pl.BlockSpec((N_CODE,), lambda i: (0,)),
        ],
        out_specs=[
            pl.BlockSpec((_RB,), lambda i: (i,)),
            pl.BlockSpec(memory_space=pltpu.SMEM),
        ],
        out_shape=[
            jax.ShapeDtypeStruct((n_part,), jnp.int32),
            jax.ShapeDtypeStruct((1, 1), jnp.float32),
        ],
    )(v2, cm2, cn)
    return z, lsum


def _distances_argmin_gather(v2, cm2, cn, hat, part, n_part):
    n = v2.shape[0]
    steps = n_part // _RB
    z, lsum, hat = pl.pallas_call(
        _make_dist_body(True),
        grid=(steps,),
        in_specs=[
            pl.BlockSpec((_RB, D_K), lambda i, p=part, s=steps: (p * s + i, 0)),
            pl.BlockSpec((N_CODE, D_K), lambda i: (0, 0)),
            pl.BlockSpec((N_CODE,), lambda i: (0,)),
            pl.BlockSpec(memory_space=pl.ANY),
        ],
        out_specs=[
            pl.BlockSpec((_RB,), lambda i: (i,)),
            pl.BlockSpec(memory_space=pltpu.SMEM),
            pl.BlockSpec((_RB, D_K), lambda i, p=part, s=steps: (p * s + i, 0)),
        ],
        out_shape=[
            jax.ShapeDtypeStruct((n_part,), jnp.int32),
            jax.ShapeDtypeStruct((1, 1), jnp.float32),
            jax.ShapeDtypeStruct((n, D_K), jnp.float32),
        ],
        input_output_aliases={3: 2},
    )(v2, cm2, cn, hat)
    return z, lsum, hat



_NC = 2
_NS = 16
_NW = _NC * _NS
_CHUNK = 32


def _sc_gather(table, idx, n_rows, out_rows, row0):
    b_per_w = n_rows // _NW
    n_chunk = b_per_w // _CHUNK
    mesh = plsc.VectorSubcoreMesh(core_axis_name="c", subcore_axis_name="s")

    @functools.partial(
        pl.kernel,
        mesh=mesh,
        out_type=jax.ShapeDtypeStruct((out_rows, D_K), jnp.float32),
        scratch_types=(
            [pltpu.VMEM((b_per_w,), jnp.int32)]
            + [pltpu.VMEM((_CHUNK, D_K), jnp.float32)] * n_chunk
            + [pltpu.SemaphoreType.DMA] * (2 * n_chunk)
        ),
    )
    def gather_k(table_hbm, idx_hbm, out_hbm, idx_v, *rest):
        bufs = rest[:n_chunk]
        gsem = rest[n_chunk:2 * n_chunk]
        wsem = rest[2 * n_chunk:]
        wid = lax.axis_index("s") * _NC + lax.axis_index("c")
        base = row0 + wid * b_per_w
        pltpu.sync_copy(idx_hbm.at[pl.ds(wid * b_per_w, b_per_w)], idx_v)
        g = [pltpu.async_copy(
                table_hbm.at[idx_v.at[pl.ds(j * _CHUNK, _CHUNK)]],
                bufs[j], gsem[j])
             for j in range(n_chunk)]
        w = []
        for j in range(n_chunk):
            g[j].wait()
            w.append(pltpu.async_copy(
                bufs[j], out_hbm.at[pl.ds(base + j * _CHUNK, _CHUNK)],
                wsem[j]))
        for cp in w:
            cp.wait()

    return gather_k(table, idx)


_NSPLIT = 4


def kernel(vecs, c_sum, c_count):
    b, r, cdim, k = vecs.shape
    n = b * r * cdim
    v2 = vecs.astype(jnp.float32).reshape(n, k)
    c = jnp.divide(c_sum, jnp.clip(jnp.expand_dims(c_count, -1), 0.01))
    c = c.astype(jnp.float32)
    cn = jnp.einsum('sk->s', jnp.square(c))

    np_ = n // _NSPLIT
    z_parts, lsums = [], []
    cm2 = jnp.float32(-2.0) * c
    z0, lsum0 = _distances_argmin(v2, cm2, cn, 0, np_)
    hat = _sc_gather(c, z0, np_, n, 0)
    z1, lsum1 = _distances_argmin(v2, cm2, cn, 1, np_)
    h1 = _sc_gather(c, z1, np_, np_, 0)
    z2, lsum2, hat = _distances_argmin_gather(v2, cm2, cn, hat, 2, np_)
    z3, lsum3, hat = _distances_argmin_gather(v2, cm2, cn, hat, 3, np_)
    hat = lax.dynamic_update_slice(hat, h1, (np_, 0))
    z_parts = [z0, z1, z2, z3]
    lsums = [lsum0[0, 0], lsum1[0, 0], lsum2[0, 0], lsum3[0, 0]]

    l_commit = sum(lsums) / (b * r)
    z = jnp.concatenate(z_parts).reshape(b, r, cdim)
    vecs_hat = hat.reshape(b, r, cdim, k).astype(vecs.dtype)
    l_codebook = jnp.zeros((), jnp.float32)
    return vecs_hat, z, l_commit, l_codebook

# --- scband reference (transcript-rebuilt; emitter-appended) ---
"""Pipeline reference for scband-emavector-quantizer-37821482009269 (READ-ONLY COPY).

The authoritative reference and input builder live on the scoring server;
editing this copy changes nothing except your own understanding.
"""

import jax, jax.numpy as jnp
import numpy as np

N_CODE = 1024
D_K = 256
C_GAMMA = 0.99


def sg(x):
    return jax.lax.stop_gradient(x)


def st(x):
    return jnp.subtract(x, jax.lax.stop_gradient(x))


def get_shortcodes(vecs, codebook):
    diffs2 = (jnp.einsum('brck->brc', jnp.square(vecs))[..., None]
              + -2.0 * jnp.einsum('brck,sk->brcs', vecs, codebook)
              + jnp.einsum('sk->s', jnp.square(codebook))[None, None, None, ...])
    z = jnp.argmin(diffs2, axis=-1)
    errs2 = jax.nn.relu(jnp.min(diffs2, axis=-1))
    return z.astype(jnp.int32), errs2


def get_codewords(shortcodes, codebook):
    sc = shortcodes[..., None]
    cb = codebook[None, None, ...]
    return jnp.take_along_axis(cb, sc, axis=-2)


def get_codebook_ema_targets(vecs, shortcodes, c_sum, c_count, c_gamma, n_device, n_block_per_update):
    n_code = c_sum.shape[0]
    g = c_gamma
    d = n_device
    p = n_block_per_update
    r = jax.nn.one_hot(shortcodes, num_classes=n_code, dtype=vecs.dtype)
    c_sum_hat = d * p * jnp.einsum('brcs,brck->sk', r, vecs)
    c_count_hat = d * p * jnp.einsum('brcs->s', r)
    c_sum_tgt = (1 - g) * c_sum_hat + g * c_sum
    c_count_tgt = (1 - g) * c_count_hat + g * c_count
    return c_sum_tgt, c_count_tgt


def get_codebook_loss(vecs, shortcodes, c_sum, c_count, c_gamma, n_device, n_block_per_update):
    c_sum_tgt, c_count_tgt = get_codebook_ema_targets(vecs, shortcodes, c_sum, c_count, c_gamma, n_device, n_block_per_update)
    l_codebook_sum = jnp.sum(sg(jnp.subtract(c_sum, c_sum_tgt)) * st(c_sum))
    l_codebook_count = jnp.sum(sg(jnp.subtract(c_count, c_count_tgt)) * st(c_count))
    return l_codebook_count + l_codebook_sum


def setup_inputs(seed: int = 0):
    key = jax.random.key(seed)
    k1, k2, k3 = jax.random.split(key, 3)
    vecs = jax.random.normal(k1, (8, 4, 512, 256), dtype=jnp.float32)
    c_sum = jax.random.normal(k2, (N_CODE, D_K), dtype=jnp.float32)
    c_count = 1.0 + 99.0 * jax.random.uniform(k3, (N_CODE,), dtype=jnp.float32)
    return {"vecs": vecs, "c_sum": c_sum, "c_count": c_count}


def reference(vecs, c_sum, c_count):
    orig_dtype = vecs.dtype
    vecs_hp = vecs.astype(jnp.float32)
    # codebook from EMA statistics, stop-gradient as in _get_codebook
    c = sg(jnp.divide(c_sum, jnp.clip(jnp.expand_dims(c_count, -1), 0.01))).astype(jnp.float32)
    z, errs2 = get_shortcodes(vecs_hp, c)
    cz = get_codewords(z, c).astype(orig_dtype)
    # straight-through estimator
    vecs_hat = sg(cz) + st(vecs)
    l_commit = jnp.mean(jnp.sum(errs2, axis=-1))
    n_device = jnp.ones([1], dtype=jnp.float32)
    n_block_per_update = jnp.ones([1], dtype=jnp.float32)
    l_codebook = get_codebook_loss(vecs_hp, z, c_sum, c_count, C_GAMMA, n_device, n_block_per_update)
    return vecs_hat, z, l_commit, l_codebook

if __name__ == "__main__":
    import jax
    _d = setup_inputs()
    print(jax.jit(kernel)(*tuple(_d.values())))

</pallas_src>

<mosaic_0001>
#map = affine_map<(d0, d1) -> (0, 0)>
#map1 = affine_map<(d0, d1) -> (0)>
module attributes {stable_mosaic.version = 14 : i64} {
  func.func @gather_k(%arg0: i32, %arg1: i32, %arg2: memref<1024x256xf32, #tpu.memory_space<hbm>>, %arg3: memref<4096xi32, #tpu.memory_space<hbm>>, %arg4: memref<4096x256xf32, #tpu.memory_space<hbm>>, %arg5: memref<128xi32, #tpu.memory_space<vmem>>, %arg6: memref<32x256xf32, #tpu.memory_space<vmem>>, %arg7: memref<32x256xf32, #tpu.memory_space<vmem>>, %arg8: memref<32x256xf32, #tpu.memory_space<vmem>>, %arg9: memref<32x256xf32, #tpu.memory_space<vmem>>, %arg10: memref<!tpu.dma_semaphore, #tpu.memory_space<semaphore_mem>>, %arg11: memref<!tpu.dma_semaphore, #tpu.memory_space<semaphore_mem>>, %arg12: memref<!tpu.dma_semaphore, #tpu.memory_space<semaphore_mem>>, %arg13: memref<!tpu.dma_semaphore, #tpu.memory_space<semaphore_mem>>, %arg14: memref<!tpu.dma_semaphore, #tpu.memory_space<semaphore_mem>>, %arg15: memref<!tpu.dma_semaphore, #tpu.memory_space<semaphore_mem>>, %arg16: memref<!tpu.dma_semaphore, #tpu.memory_space<semaphore_mem>>, %arg17: memref<!tpu.dma_semaphore, #tpu.memory_space<semaphore_mem>>) attributes {dimension_semantics = [#tpu.dimension_semantics<core_parallel>, #tpu.dimension_semantics<subcore_parallel>], iteration_bounds = array<i64: 2, 16>, scalar_prefetch = 0 : i64, scratch_operands = 13 : i64, tpu.core_type = #tpu.core_type<sc_vector_subcore>, window_params = [{transform_indices = #map}, {transform_indices = #map1}, {transform_indices = #map}]} {
    %mul3A = arith.constant 2 : i32
    %mul3A_0 = arith.muli %arg1, %mul3A : i32
    %add3A = arith.addi %mul3A_0, %arg0 : i32
    %mul3A_1 = arith.constant 128 : i32
    %mul3A_2 = arith.muli %add3A, %mul3A_1 : i32
    %add3A_3 = arith.constant 0 : i32
    %add3A_4 = arith.addi %add3A_3, %mul3A_2 : i32
    %mul3A_5 = arith.constant 128 : i32
    %mul3A_6 = arith.muli %add3A, %mul3A_5 : i32
    "tpu.region"() ({
      %run_scoped3A = tpu.sem_alloc : memref<!tpu.dma_semaphore, #tpu.memory_space<semaphore_mem>>
      %dma_start3A_85 = tpu.memref_slice %arg3[%mul3A_6] : memref<4096xi32, #tpu.memory_space<hbm>> -> memref<128xi32, #tpu.memory_space<hbm>>
      %dma_start3A_86 = tpu.memref_slice %arg3[%mul3A_6] : memref<4096xi32, #tpu.memory_space<hbm>> -> memref<128xi32, #tpu.memory_space<hbm>>
      tpu.enqueue_dma source(%dma_start3A_86 : memref<128xi32, #tpu.memory_space<hbm>>) target(%arg5 : memref<128xi32, #tpu.memory_space<vmem>>) target_semaphore(%run_scoped3A : memref<!tpu.dma_semaphore, #tpu.memory_space<semaphore_mem>>)
      %dma_wait3A_87 = tpu.memref_slice %arg3[%mul3A_6] : memref<4096xi32, #tpu.memory_space<hbm>> -> memref<128xi32, #tpu.memory_space<hbm>>
      %dma_wait3A_88 = tpu.memref_slice %arg3[%mul3A_6] : memref<4096xi32, #tpu.memory_space<hbm>> -> memref<128xi32, #tpu.memory_space<hbm>>
      tpu.wait_dma2 semaphore(%run_scoped3A : memref<!tpu.dma_semaphore, #tpu.memory_space<semaphore_mem>>) src(%dma_wait3A_88 : memref<128xi32, #tpu.memory_space<hbm>>) dst(%arg5 : memref<128xi32, #tpu.memory_space<vmem>>)
      tpu.yield
    }) : () -> ()
    %dma_start3A = arith.constant 0 : i32
    %dma_start3A_7 = tpu.memref_slice %arg5[%dma_start3A] : memref<128xi32, #tpu.memory_space<vmem>> -> memref<32xi32, #tpu.memory_space<vmem>>
    %dma_start3A_8 = arith.constant 0 : i32
    %dma_start3A_9 = arith.constant 0 : i32
    %dma_start3A_10 = tpu.memref_slice %arg2[%dma_start3A_8, %dma_start3A_9] : memref<1024x256xf32, #tpu.memory_space<hbm>> -> memref<1024x256xf32, #tpu.memory_space<hbm>>
    tpu.enqueue_indirect_dma source(%dma_start3A_10 : memref<1024x256xf32, #tpu.memory_space<hbm>>) target(%arg6 : memref<32x256xf32, #tpu.memory_space<vmem>>) offsets(%dma_start3A_7 : memref<32xi32, #tpu.memory_space<vmem>>) semaphore(%arg10 : memref<!tpu.dma_semaphore, #tpu.memory_space<semaphore_mem>>)
    %dma_start3A_11 = arith.constant 32 : i32
    %dma_start3A_12 = tpu.memref_slice %arg5[%dma_start3A_11] : memref<128xi32, #tpu.memory_space<vmem>> -> memref<32xi32, #tpu.memory_space<vmem>>
    %dma_start3A_13 = arith.constant 0 : i32
    %dma_start3A_14 = arith.constant 0 : i32
    %dma_start3A_15 = tpu.memref_slice %arg2[%dma_start3A_13, %dma_start3A_14] : memref<1024x256xf32, #tpu.memory_space<hbm>> -> memref<1024x256xf32, #tpu.memory_space<hbm>>
    tpu.enqueue_indirect_dma source(%dma_start3A_15 : memref<1024x256xf32, #tpu.memory_space<hbm>>) target(%arg7 : memref<32x256xf32, #tpu.memory_space<vmem>>) offsets(%dma_start3A_12 : memref<32xi32, #tpu.memory_space<vmem>>) semaphore(%arg11 : memref<!tpu.dma_semaphore, #tpu.memory_space<semaphore_mem>>)
    %dma_start3A_16 = arith.constant 64 : i32
    %dma_start3A_17 = tpu.memref_slice %arg5[%dma_start3A_16] : memref<128xi32, #tpu.memory_space<vmem>> -> memref<32xi32, #tpu.memory_space<vmem>>
    %dma_start3A_18 = arith.constant 0 : i32
    %dma_start3A_19 = arith.constant 0 : i32
    %dma_start3A_20 = tpu.memref_slice %arg2[%dma_start3A_18, %dma_start3A_19] : memref<1024x256xf32, #tpu.memory_space<hbm>> -> memref<1024x256xf32, #tpu.memory_space<hbm>>
    tpu.enqueue_indirect_dma source(%dma_start3A_20 : memref<1024x256xf32, #tpu.memory_space<hbm>>) target(%arg8 : memref<32x256xf32, #tpu.memory_space<vmem>>) offsets(%dma_start3A_17 : memref<32xi32, #tpu.memory_space<vmem>>) semaphore(%arg12 : memref<!tpu.dma_semaphore, #tpu.memory_space<semaphore_mem>>)
    %dma_start3A_21 = arith.constant 96 : i32
    %dma_start3A_22 = tpu.memref_slice %arg5[%dma_start3A_21] : memref<128xi32, #tpu.memory_space<vmem>> -> memref<32xi32, #tpu.memory_space<vmem>>
    %dma_start3A_23 = arith.constant 0 : i32
    %dma_start3A_24 = arith.constant 0 : i32
    %dma_start3A_25 = tpu.memref_slice %arg2[%dma_start3A_23, %dma_start3A_24] : memref<1024x256xf32, #tpu.memory_space<hbm>> -> memref<1024x256xf32, #tpu.memory_space<hbm>>
    tpu.enqueue_indirect_dma source(%dma_start3A_25 : memref<1024x256xf32, #tpu.memory_space<hbm>>) target(%arg9 : memref<32x256xf32, #tpu.memory_space<vmem>>) offsets(%dma_start3A_22 : memref<32xi32, #tpu.memory_space<vmem>>) semaphore(%arg13 : memref<!tpu.dma_semaphore, #tpu.memory_space<semaphore_mem>>)
    %dma_wait3A = arith.constant 0 : i32
    %dma_wait3A_26 = tpu.memref_slice %arg5[%dma_wait3A] : memref<128xi32, #tpu.memory_space<vmem>> -> memref<32xi32, #tpu.memory_space<vmem>>
    %dma_wait3A_27 = arith.constant 0 : i32
    %dma_wait3A_28 = arith.constant 0 : i32
    %dma_wait3A_29 = tpu.memref_slice %arg2[%dma_wait3A_27, %dma_wait3A_28] : memref<1024x256xf32, #tpu.memory_space<hbm>> -> memref<1024x256xf32, #tpu.memory_space<hbm>>
    tpu.wait_indirect_dma semaphore(%arg10 : memref<!tpu.dma_semaphore, #tpu.memory_space<semaphore_mem>>) src(%dma_wait3A_29 : memref<1024x256xf32, #tpu.memory_space<hbm>>) dst(%arg6 : memref<32x256xf32, #tpu.memory_space<vmem>>)
    %add3A_30 = arith.constant 0 : i32
    %add3A_31 = arith.addi %add3A_4, %add3A_30 : i32
    %dma_start3A_32 = arith.constant 0 : i32
    %dma_start3A_33 = tpu.memref_slice %arg4[%add3A_31, %dma_start3A_32] : memref<4096x256xf32, #tpu.memory_space<hbm>> -> memref<32x256xf32, #tpu.memory_space<hbm>>
    %dma_start3A_34 = arith.constant 0 : i32
    %dma_start3A_35 = tpu.memref_slice %arg4[%add3A_31, %dma_start3A_34] : memref<4096x256xf32, #tpu.memory_space<hbm>> -> memref<32x256xf32, #tpu.memory_space<hbm>>
    tpu.enqueue_dma source(%arg6 : memref<32x256xf32, #tpu.memory_space<vmem>>) target(%dma_start3A_35 : memref<32x256xf32, #tpu.memory_space<hbm>>) target_semaphore(%arg14 : memref<!tpu.dma_semaphore, #tpu.memory_space<semaphore_mem>>)
    %dma_wait3A_36 = arith.constant 32 : i32
    %dma_wait3A_37 = tpu.memref_slice %arg5[%dma_wait3A_36] : memref<128xi32, #tpu.memory_space<vmem>> -> memref<32xi32, #tpu.memory_space<vmem>>
    %dma_wait3A_38 = arith.constant 0 : i32
    %dma_wait3A_39 = arith.constant 0 : i32
    %dma_wait3A_40 = tpu.memref_slice %arg2[%dma_wait3A_38, %dma_wait3A_39] : memref<1024x256xf32, #tpu.memory_space<hbm>> -> memref<1024x256xf32, #tpu.memory_space<hbm>>
    tpu.wait_indirect_dma semaphore(%arg11 : memref<!tpu.dma_semaphore, #tpu.memory_space<semaphore_mem>>) src(%dma_wait3A_40 : memref<1024x256xf32, #tpu.memory_space<hbm>>) dst(%arg7 : memref<32x256xf32, #tpu.memory_space<vmem>>)
    %add3A_41 = arith.constant 32 : i32
    %add3A_42 = arith.addi %add3A_4, %add3A_41 : i32
    %dma_start3A_43 = arith.constant 0 : i32
    %dma_start3A_44 = tpu.memref_slice %arg4[%add3A_42, %dma_start3A_43] : memref<4096x256xf32, #tpu.memory_space<hbm>> -> memref<32x256xf32, #tpu.memory_space<hbm>>
    %dma_start3A_45 = arith.constant 0 : i32
    %dma_start3A_46 = tpu.memref_slice %arg4[%add3A_42, %dma_start3A_45] : memref<4096x256xf32, #tpu.memory_space<hbm>> -> memref<32x256xf32, #tpu.memory_space<hbm>>
    tpu.enqueue_dma source(%arg7 : memref<32x256xf32, #tpu.memory_space<vmem>>) target(%dma_start3A_46 : memref<32x256xf32, #tpu.memory_space<hbm>>) target_semaphore(%arg15 : memref<!tpu.dma_semaphore, #tpu.memory_space<semaphore_mem>>)
    %dma_wait3A_47 = arith.constant 64 : i32
    %dma_wait3A_48 = tpu.memref_slice %arg5[%dma_wait3A_47] : memref<128xi32, #tpu.memory_space<vmem>> -> memref<32xi32, #tpu.memory_space<vmem>>
    %dma_wait3A_49 = arith.constant 0 : i32
    %dma_wait3A_50 = arith.constant 0 : i32
    %dma_wait3A_51 = tpu.memref_slice %arg2[%dma_wait3A_49, %dma_wait3A_50] : memref<1024x256xf32, #tpu.memory_space<hbm>> -> memref<1024x256xf32, #tpu.memory_space<hbm>>
    tpu.wait_indirect_dma semaphore(%arg12 : memref<!tpu.dma_semaphore, #tpu.memory_space<semaphore_mem>>) src(%dma_wait3A_51 : memref<1024x256xf32, #tpu.memory_space<hbm>>) dst(%arg8 : memref<32x256xf32, #tpu.memory_space<vmem>>)
    %add3A_52 = arith.constant 64 : i32
    %add3A_53 = arith.addi %add3A_4, %add3A_52 : i32
    %dma_start3A_54 = arith.constant 0 : i32
    %dma_start3A_55 = tpu.memref_slice %arg4[%add3A_53, %dma_start3A_54] : memref<4096x256xf32, #tpu.memory_space<hbm>> -> memref<32x256xf32, #tpu.memory_space<hbm>>
    %dma_start3A_56 = arith.constant 0 : i32
    %dma_start3A_57 = tpu.memref_slice %arg4[%add3A_53, %dma_start3A_56] : memref<4096x256xf32, #tpu.memory_space<hbm>> -> memref<32x256xf32, #tpu.memory_space<hbm>>
    tpu.enqueue_dma source(%arg8 : memref<32x256xf32, #tpu.memory_space<vmem>>) target(%dma_start3A_57 : memref<32x256xf32, #tpu.memory_space<hbm>>) target_semaphore(%arg16 : memref<!tpu.dma_semaphore, #tpu.memory_space<semaphore_mem>>)
    %dma_wait3A_58 = arith.constant 96 : i32
    %dma_wait3A_59 = tpu.memref_slice %arg5[%dma_wait3A_58] : memref<128xi32, #tpu.memory_space<vmem>> -> memref<32xi32, #tpu.memory_space<vmem>>
    %dma_wait3A_60 = arith.constant 0 : i32
    %dma_wait3A_61 = arith.constant 0 : i32
    %dma_wait3A_62 = tpu.memref_slice %arg2[%dma_wait3A_60, %dma_wait3A_61] : memref<1024x256xf32, #tpu.memory_space<hbm>> -> memref<1024x256xf32, #tpu.memory_space<hbm>>
    tpu.wait_indirect_dma semaphore(%arg13 : memref<!tpu.dma_semaphore, #tpu.memory_space<semaphore_mem>>) src(%dma_wait3A_62 : memref<1024x256xf32, #tpu.memory_space<hbm>>) dst(%arg9 : memref<32x256xf32, #tpu.memory_space<vmem>>)
    %add3A_63 = arith.constant 96 : i32
    %add3A_64 = arith.addi %add3A_4, %add3A_63 : i32
    %dma_start3A_65 = arith.constant 0 : i32
    %dma_start3A_66 = tpu.memref_slice %arg4[%add3A_64, %dma_start3A_65] : memref<4096x256xf32, #tpu.memory_space<hbm>> -> memref<32x256xf32, #tpu.memory_space<hbm>>
    %dma_start3A_67 = arith.constant 0 : i32
    %dma_start3A_68 = tpu.memref_slice %arg4[%add3A_64, %dma_start3A_67] : memref<4096x256xf32, #tpu.memory_space<hbm>> -> memref<32x256xf32, #tpu.memory_space<hbm>>
    tpu.enqueue_dma source(%arg9 : memref<32x256xf32, #tpu.memory_space<vmem>>) target(%dma_start3A_68 : memref<32x256xf32, #tpu.memory_space<hbm>>) target_semaphore(%arg17 : memref<!tpu.dma_semaphore, #tpu.memory_space<semaphore_mem>>)
    %dma_wait3A_69 = arith.constant 0 : i32
    %dma_wait3A_70 = tpu.memref_slice %arg4[%add3A_31, %dma_wait3A_69] : memref<4096x256xf32, #tpu.memory_space<hbm>> -> memref<32x256xf32, #tpu.memory_space<hbm>>
    %dma_wait3A_71 = arith.constant 0 : i32
    %dma_wait3A_72 = tpu.memref_slice %arg4[%add3A_31, %dma_wait3A_71] : memref<4096x256xf32, #tpu.memory_space<hbm>> -> memref<32x256xf32, #tpu.memory_space<hbm>>
    tpu.wait_dma2 semaphore(%arg14 : memref<!tpu.dma_semaphore, #tpu.memory_space<semaphore_mem>>) src(%arg6 : memref<32x256xf32, #tpu.memory_space<vmem>>) dst(%dma_wait3A_72 : memref<32x256xf32, #tpu.memory_space<hbm>>)
    %dma_wait3A_73 = arith.constant 0 : i32
    %dma_wait3A_74 = tpu.memref_slice %arg4[%add3A_42, %dma_wait3A_73] : memref<4096x256xf32, #tpu.memory_space<hbm>> -> memref<32x256xf32, #tpu.memory_space<hbm>>
    %dma_wait3A_75 = arith.constant 0 : i32
    %dma_wait3A_76 = tpu.memref_slice %arg4[%add3A_42, %dma_wait3A_75] : memref<4096x256xf32, #tpu.memory_space<hbm>> -> memref<32x256xf32, #tpu.memory_space<hbm>>
    tpu.wait_dma2 semaphore(%arg15 : memref<!tpu.dma_semaphore, #tpu.memory_space<semaphore_mem>>) src(%arg7 : memref<32x256xf32, #tpu.memory_space<vmem>>) dst(%dma_wait3A_76 : memref<32x256xf32, #tpu.memory_space<hbm>>)
    %dma_wait3A_77 = arith.constant 0 : i32
    %dma_wait3A_78 = tpu.memref_slice %arg4[%add3A_53, %dma_wait3A_77] : memref<4096x256xf32, #tpu.memory_space<hbm>> -> memref<32x256xf32, #tpu.memory_space<hbm>>
    %dma_wait3A_79 = arith.constant 0 : i32
    %dma_wait3A_80 = tpu.memref_slice %arg4[%add3A_53, %dma_wait3A_79] : memref<4096x256xf32, #tpu.memory_space<hbm>> -> memref<32x256xf32, #tpu.memory_space<hbm>>
    tpu.wait_dma2 semaphore(%arg16 : memref<!tpu.dma_semaphore, #tpu.memory_space<semaphore_mem>>) src(%arg8 : memref<32x256xf32, #tpu.memory_space<vmem>>) dst(%dma_wait3A_80 : memref<32x256xf32, #tpu.memory_space<hbm>>)
    %dma_wait3A_81 = arith.constant 0 : i32
    %dma_wait3A_82 = tpu.memref_slice %arg4[%add3A_64, %dma_wait3A_81] : memref<4096x256xf32, #tpu.memory_space<hbm>> -> memref<32x256xf32, #tpu.memory_space<hbm>>
    %dma_wait3A_83 = arith.constant 0 : i32
    %dma_wait3A_84 = tpu.memref_slice %arg4[%add3A_64, %dma_wait3A_83] : memref<4096x256xf32, #tpu.memory_space<hbm>> -> memref<32x256xf32, #tpu.memory_space<hbm>>
    tpu.wait_dma2 semaphore(%arg17 : memref<!tpu.dma_semaphore, #tpu.memory_space<semaphore_mem>>) src(%arg9 : memref<32x256xf32, #tpu.memory_space<vmem>>) dst(%dma_wait3A_84 : memref<32x256xf32, #tpu.memory_space<hbm>>)
    return
  }
}

#map = affine_map<(d0, d1) -> (0, 0)>
#map1 = affine_map<(d0, d1) -> (0)>
module attributes {stable_mosaic.version = 14 : i64} {
  func.func @gather_k(%arg0: i32, %arg1: i32, %arg2: memref<1024x256xf32, #tpu.memory_space<hbm>>, %arg3: memref<4096xi32, #tpu.memory_space<hbm>>, %arg4: memref<16384x256xf32, #tpu.memory_space<hbm>>, %arg5: memref<128xi32, #tpu.memory_space<vmem>>, %arg6: memref<32x256xf32, #tpu.memory_space<vmem>>, %arg7: memref<32x256xf32, #tpu.memory_space<vmem>>, %arg8: memref<32x256xf32, #tpu.memory_space<vmem>>, %arg9: memref<32x256xf32, #tpu.memory_space<vmem>>, %arg10: memref<!tpu.dma_semaphore, #tpu.memory_space<semaphore_mem>>, %arg11: memref<!tpu.dma_semaphore, #tpu.memory_space<semaphore_mem>>, %arg12: memref<!tpu.dma_semaphore, #tpu.memory_space<semaphore_mem>>, %arg13: memref<!tpu.dma_semaphore, #tpu.memory_space<semaphore_mem>>, %arg14: memref<!tpu.dma_semaphore, #tpu.memory_space<semaphore_mem>>, %arg15: memref<!tpu.dma_semaphore, #tpu.memory_space<semaphore_mem>>, %arg16: memref<!tpu.dma_semaphore, #tpu.memory_space<semaphore_mem>>, %arg17: memref<!tpu.dma_semaphore, #tpu.memory_space<semaphore_mem>>) attributes {dimension_semantics = [#tpu.dimension_semantics<core_parallel>, #tpu.dimension_semantics<subcore_parallel>], iteration_bounds = array<i64: 2, 16>, scalar_prefetch = 0 : i64, scratch_operands = 13 : i64, tpu.core_type = #tpu.core_type<sc_vector_subcore>, window_params = [{transform_indices = #map}, {transform_indices = #map1}, {transform_indices = #map}]} {
    %mul3A = arith.constant 2 : i32
    %mul3A_0 = arith.muli %arg1, %mul3A : i32
    %add3A = arith.addi %mul3A_0, %arg0 : i32
    %mul3A_1 = arith.constant 128 : i32
    %mul3A_2 = arith.muli %add3A, %mul3A_1 : i32
    %add3A_3 = arith.constant 0 : i32
    %add3A_4 = arith.addi %add3A_3, %mul3A_2 : i32
    %mul3A_5 = arith.constant 128 : i32
    %mul3A_6 = arith.muli %add3A, %mul3A_5 : i32
    "tpu.region"() ({
      %run_scoped3A = tpu.sem_alloc : memref<!tpu.dma_semaphore, #tpu.memory_space<semaphore_mem>>
      %dma_start3A_85 = tpu.memref_slice %arg3[%mul3A_6] : memref<4096xi32, #tpu.memory_space<hbm>> -> memref<128xi32, #tpu.memory_space<hbm>>
      %dma_start3A_86 = tpu.memref_slice %arg3[%mul3A_6] : memref<4096xi32, #tpu.memory_space<hbm>> -> memref<128xi32, #tpu.memory_space<hbm>>
      tpu.enqueue_dma source(%dma_start3A_86 : memref<128xi32, #tpu.memory_space<hbm>>) target(%arg5 : memref<128xi32, #tpu.memory_space<vmem>>) target_semaphore(%run_scoped3A : memref<!tpu.dma_semaphore, #tpu.memory_space<semaphore_mem>>)
      %dma_wait3A_87 = tpu.memref_slice %arg3[%mul3A_6] : memref<4096xi32, #tpu.memory_space<hbm>> -> memref<128xi32, #tpu.memory_space<hbm>>
      %dma_wait3A_88 = tpu.memref_slice %arg3[%mul3A_6] : memref<4096xi32, #tpu.memory_space<hbm>> -> memref<128xi32, #tpu.memory_space<hbm>>
      tpu.wait_dma2 semaphore(%run_scoped3A : memref<!tpu.dma_semaphore, #tpu.memory_space<semaphore_mem>>) src(%dma_wait3A_88 : memref<128xi32, #tpu.memory_space<hbm>>) dst(%arg5 : memref<128xi32, #tpu.memory_space<vmem>>)
      tpu.yield
    }) : () -> ()
    %dma_start3A = arith.constant 0 : i32
    %dma_start3A_7 = tpu.memref_slice %arg5[%dma_start3A] : memref<128xi32, #tpu.memory_space<vmem>> -> memref<32xi32, #tpu.memory_space<vmem>>
    %dma_start3A_8 = arith.constant 0 : i32
    %dma_start3A_9 = arith.constant 0 : i32
    %dma_start3A_10 = tpu.memref_slice %arg2[%dma_start3A_8, %dma_start3A_9] : memref<1024x256xf32, #tpu.memory_space<hbm>> -> memref<1024x256xf32, #tpu.memory_space<hbm>>
    tpu.enqueue_indirect_dma source(%dma_start3A_10 : memref<1024x256xf32, #tpu.memory_space<hbm>>) target(%arg6 : memref<32x256xf32, #tpu.memory_space<vmem>>) offsets(%dma_start3A_7 : memref<32xi32, #tpu.memory_space<vmem>>) semaphore(%arg10 : memref<!tpu.dma_semaphore, #tpu.memory_space<semaphore_mem>>)
    %dma_start3A_11 = arith.constant 32 : i32
    %dma_start3A_12 = tpu.memref_slice %arg5[%dma_start3A_11] : memref<128xi32, #tpu.memory_space<vmem>> -> memref<32xi32, #tpu.memory_space<vmem>>
    %dma_start3A_13 = arith.constant 0 : i32
    %dma_start3A_14 = arith.constant 0 : i32
    %dma_start3A_15 = tpu.memref_slice %arg2[%dma_start3A_13, %dma_start3A_14] : memref<1024x256xf32, #tpu.memory_space<hbm>> -> memref<1024x256xf32, #tpu.memory_space<hbm>>
    tpu.enqueue_indirect_dma source(%dma_start3A_15 : memref<1024x256xf32, #tpu.memory_space<hbm>>) target(%arg7 : memref<32x256xf32, #tpu.memory_space<vmem>>) offsets(%dma_start3A_12 : memref<32xi32, #tpu.memory_space<vmem>>) semaphore(%arg11 : memref<!tpu.dma_semaphore, #tpu.memory_space<semaphore_mem>>)
    %dma_start3A_16 = arith.constant 64 : i32
    %dma_start3A_17 = tpu.memref_slice %arg5[%dma_start3A_16] : memref<128xi32, #tpu.memory_space<vmem>> -> memref<32xi32, #tpu.memory_space<vmem>>
    %dma_start3A_18 = arith.constant 0 : i32
    %dma_start3A_19 = arith.constant 0 : i32
    %dma_start3A_20 = tpu.memref_slice %arg2[%dma_start3A_18, %dma_start3A_19] : memref<1024x256xf32, #tpu.memory_space<hbm>> -> memref<1024x256xf32, #tpu.memory_space<hbm>>
    tpu.enqueue_indirect_dma source(%dma_start3A_20 : memref<1024x256xf32, #tpu.memory_space<hbm>>) target(%arg8 : memref<32x256xf32, #tpu.memory_space<vmem>>) offsets(%dma_start3A_17 : memref<32xi32, #tpu.memory_space<vmem>>) semaphore(%arg12 : memref<!tpu.dma_semaphore, #tpu.memory_space<semaphore_mem>>)
    %dma_start3A_21 = arith.constant 96 : i32
    %dma_start3A_22 = tpu.memref_slice %arg5[%dma_start3A_21] : memref<128xi32, #tpu.memory_space<vmem>> -> memref<32xi32, #tpu.memory_space<vmem>>
    %dma_start3A_23 = arith.constant 0 : i32
    %dma_start3A_24 = arith.constant 0 : i32
    %dma_start3A_25 = tpu.memref_slice %arg2[%dma_start3A_23, %dma_start3A_24] : memref<1024x256xf32, #tpu.memory_space<hbm>> -> memref<1024x256xf32, #tpu.memory_space<hbm>>
    tpu.enqueue_indirect_dma source(%dma_start3A_25 : memref<1024x256xf32, #tpu.memory_space<hbm>>) target(%arg9 : memref<32x256xf32, #tpu.memory_space<vmem>>) offsets(%dma_start3A_22 : memref<32xi32, #tpu.memory_space<vmem>>) semaphore(%arg13 : memref<!tpu.dma_semaphore, #tpu.memory_space<semaphore_mem>>)
    %dma_wait3A = arith.constant 0 : i32
    %dma_wait3A_26 = tpu.memref_slice %arg5[%dma_wait3A] : memref<128xi32, #tpu.memory_space<vmem>> -> memref<32xi32, #tpu.memory_space<vmem>>
    %dma_wait3A_27 = arith.constant 0 : i32
    %dma_wait3A_28 = arith.constant 0 : i32
    %dma_wait3A_29 = tpu.memref_slice %arg2[%dma_wait3A_27, %dma_wait3A_28] : memref<1024x256xf32, #tpu.memory_space<hbm>> -> memref<1024x256xf32, #tpu.memory_space<hbm>>
    tpu.wait_indirect_dma semaphore(%arg10 : memref<!tpu.dma_semaphore, #tpu.memory_space<semaphore_mem>>) src(%dma_wait3A_29 : memref<1024x256xf32, #tpu.memory_space<hbm>>) dst(%arg6 : memref<32x256xf32, #tpu.memory_space<vmem>>)
    %add3A_30 = arith.constant 0 : i32
    %add3A_31 = arith.addi %add3A_4, %add3A_30 : i32
    %dma_start3A_32 = arith.constant 0 : i32
    %dma_start3A_33 = tpu.memref_slice %arg4[%add3A_31, %dma_start3A_32] : memref<16384x256xf32, #tpu.memory_space<hbm>> -> memref<32x256xf32, #tpu.memory_space<hbm>>
    %dma_start3A_34 = arith.constant 0 : i32
    %dma_start3A_35 = tpu.memref_slice %arg4[%add3A_31, %dma_start3A_34] : memref<16384x256xf32, #tpu.memory_space<hbm>> -> memref<32x256xf32, #tpu.memory_space<hbm>>
    tpu.enqueue_dma source(%arg6 : memref<32x256xf32, #tpu.memory_space<vmem>>) target(%dma_start3A_35 : memref<32x256xf32, #tpu.memory_space<hbm>>) target_semaphore(%arg14 : memref<!tpu.dma_semaphore, #tpu.memory_space<semaphore_mem>>)
    %dma_wait3A_36 = arith.constant 32 : i32
    %dma_wait3A_37 = tpu.memref_slice %arg5[%dma_wait3A_36] : memref<128xi32, #tpu.memory_space<vmem>> -> memref<32xi32, #tpu.memory_space<vmem>>
    %dma_wait3A_38 = arith.constant 0 : i32
    %dma_wait3A_39 = arith.constant 0 : i32
    %dma_wait3A_40 = tpu.memref_slice %arg2[%dma_wait3A_38, %dma_wait3A_39] : memref<1024x256xf32, #tpu.memory_space<hbm>> -> memref<1024x256xf32, #tpu.memory_space<hbm>>
    tpu.wait_indirect_dma semaphore(%arg11 : memref<!tpu.dma_semaphore, #tpu.memory_space<semaphore_mem>>) src(%dma_wait3A_40 : memref<1024x256xf32, #tpu.memory_space<hbm>>) dst(%arg7 : memref<32x256xf32, #tpu.memory_space<vmem>>)
    %add3A_41 = arith.constant 32 : i32
    %add3A_42 = arith.addi %add3A_4, %add3A_41 : i32
    %dma_start3A_43 = arith.constant 0 : i32
    %dma_start3A_44 = tpu.memref_slice %arg4[%add3A_42, %dma_start3A_43] : memref<16384x256xf32, #tpu.memory_space<hbm>> -> memref<32x256xf32, #tpu.memory_space<hbm>>
    %dma_start3A_45 = arith.constant 0 : i32
    %dma_start3A_46 = tpu.memref_slice %arg4[%add3A_42, %dma_start3A_45] : memref<16384x256xf32, #tpu.memory_space<hbm>> -> memref<32x256xf32, #tpu.memory_space<hbm>>
    tpu.enqueue_dma source(%arg7 : memref<32x256xf32, #tpu.memory_space<vmem>>) target(%dma_start3A_46 : memref<32x256xf32, #tpu.memory_space<hbm>>) target_semaphore(%arg15 : memref<!tpu.dma_semaphore, #tpu.memory_space<semaphore_mem>>)
    %dma_wait3A_47 = arith.constant 64 : i32
    %dma_wait3A_48 = tpu.memref_slice %arg5[%dma_wait3A_47] : memref<128xi32, #tpu.memory_space<vmem>> -> memref<32xi32, #tpu.memory_space<vmem>>
    %dma_wait3A_49 = arith.constant 0 : i32
    %dma_wait3A_50 = arith.constant 0 : i32
    %dma_wait3A_51 = tpu.memref_slice %arg2[%dma_wait3A_49, %dma_wait3A_50] : memref<1024x256xf32, #tpu.memory_space<hbm>> -> memref<1024x256xf32, #tpu.memory_space<hbm>>
    tpu.wait_indirect_dma semaphore(%arg12 : memref<!tpu.dma_semaphore, #tpu.memory_space<semaphore_mem>>) src(%dma_wait3A_51 : memref<1024x256xf32, #tpu.memory_space<hbm>>) dst(%arg8 : memref<32x256xf32, #tpu.memory_space<vmem>>)
    %add3A_52 = arith.constant 64 : i32
    %add3A_53 = arith.addi %add3A_4, %add3A_52 : i32
    %dma_start3A_54 = arith.constant 0 : i32
    %dma_start3A_55 = tpu.memref_slice %arg4[%add3A_53, %dma_start3A_54] : memref<16384x256xf32, #tpu.memory_space<hbm>> -> memref<32x256xf32, #tpu.memory_space<hbm>>
    %dma_start3A_56 = arith.constant 0 : i32
    %dma_start3A_57 = tpu.memref_slice %arg4[%add3A_53, %dma_start3A_56] : memref<16384x256xf32, #tpu.memory_space<hbm>> -> memref<32x256xf32, #tpu.memory_space<hbm>>
    tpu.enqueue_dma source(%arg8 : memref<32x256xf32, #tpu.memory_space<vmem>>) target(%dma_start3A_57 : memref<32x256xf32, #tpu.memory_space<hbm>>) target_semaphore(%arg16 : memref<!tpu.dma_semaphore, #tpu.memory_space<semaphore_mem>>)
    %dma_wait3A_58 = arith.constant 96 : i32
    %dma_wait3A_59 = tpu.memref_slice %arg5[%dma_wait3A_58] : memref<128xi32, #tpu.memory_space<vmem>> -> memref<32xi32, #tpu.memory_space<vmem>>
    %dma_wait3A_60 = arith.constant 0 : i32
    %dma_wait3A_61 = arith.constant 0 : i32
    %dma_wait3A_62 = tpu.memref_slice %arg2[%dma_wait3A_60, %dma_wait3A_61] : memref<1024x256xf32, #tpu.memory_space<hbm>> -> memref<1024x256xf32, #tpu.memory_space<hbm>>
    tpu.wait_indirect_dma semaphore(%arg13 : memref<!tpu.dma_semaphore, #tpu.memory_space<semaphore_mem>>) src(%dma_wait3A_62 : memref<1024x256xf32, #tpu.memory_space<hbm>>) dst(%arg9 : memref<32x256xf32, #tpu.memory_space<vmem>>)
    %add3A_63 = arith.constant 96 : i32
    %add3A_64 = arith.addi %add3A_4, %add3A_63 : i32
    %dma_start3A_65 = arith.constant 0 : i32
    %dma_start3A_66 = tpu.memref_slice %arg4[%add3A_64, %dma_start3A_65] : memref<16384x256xf32, #tpu.memory_space<hbm>> -> memref<32x256xf32, #tpu.memory_space<hbm>>
    %dma_start3A_67 = arith.constant 0 : i32
    %dma_start3A_68 = tpu.memref_slice %arg4[%add3A_64, %dma_start3A_67] : memref<16384x256xf32, #tpu.memory_space<hbm>> -> memref<32x256xf32, #tpu.memory_space<hbm>>
    tpu.enqueue_dma source(%arg9 : memref<32x256xf32, #tpu.memory_space<vmem>>) target(%dma_start3A_68 : memref<32x256xf32, #tpu.memory_space<hbm>>) target_semaphore(%arg17 : memref<!tpu.dma_semaphore, #tpu.memory_space<semaphore_mem>>)
    %dma_wait3A_69 = arith.constant 0 : i32
    %dma_wait3A_70 = tpu.memref_slice %arg4[%add3A_31, %dma_wait3A_69] : memref<16384x256xf32, #tpu.memory_space<hbm>> -> memref<32x256xf32, #tpu.memory_space<hbm>>
    %dma_wait3A_71 = arith.constant 0 : i32
    %dma_wait3A_72 = tpu.memref_slice %arg4[%add3A_31, %dma_wait3A_71] : memref<16384x256xf32, #tpu.memory_space<hbm>> -> memref<32x256xf32, #tpu.memory_space<hbm>>
    tpu.wait_dma2 semaphore(%arg14 : memref<!tpu.dma_semaphore, #tpu.memory_space<semaphore_mem>>) src(%arg6 : memref<32x256xf32, #tpu.memory_space<vmem>>) dst(%dma_wait3A_72 : memref<32x256xf32, #tpu.memory_space<hbm>>)
    %dma_wait3A_73 = arith.constant 0 : i32
    %dma_wait3A_74 = tpu.memref_slice %arg4[%add3A_42, %dma_wait3A_73] : memref<16384x256xf32, #tpu.memory_space<hbm>> -> memref<32x256xf32, #tpu.memory_space<hbm>>
    %dma_wait3A_75 = arith.constant 0 : i32
    %dma_wait3A_76 = tpu.memref_slice %arg4[%add3A_42, %dma_wait3A_75] : memref<16384x256xf32, #tpu.memory_space<hbm>> -> memref<32x256xf32, #tpu.memory_space<hbm>>
    tpu.wait_dma2 semaphore(%arg15 : memref<!tpu.dma_semaphore, #tpu.memory_space<semaphore_mem>>) src(%arg7 : memref<32x256xf32, #tpu.memory_space<vmem>>) dst(%dma_wait3A_76 : memref<32x256xf32, #tpu.memory_space<hbm>>)
    %dma_wait3A_77 = arith.constant 0 : i32
    %dma_wait3A_78 = tpu.memref_slice %arg4[%add3A_53, %dma_wait3A_77] : memref<16384x256xf32, #tpu.memory_space<hbm>> -> memref<32x256xf32, #tpu.memory_space<hbm>>
    %dma_wait3A_79 = arith.constant 0 : i32
    %dma_wait3A_80 = tpu.memref_slice %arg4[%add3A_53, %dma_wait3A_79] : memref<16384x256xf32, #tpu.memory_space<hbm>> -> memref<32x256xf32, #tpu.memory_space<hbm>>
    tpu.wait_dma2 semaphore(%arg16 : memref<!tpu.dma_semaphore, #tpu.memory_space<semaphore_mem>>) src(%arg8 : memref<32x256xf32, #tpu.memory_space<vmem>>) dst(%dma_wait3A_80 : memref<32x256xf32, #tpu.memory_space<hbm>>)
    %dma_wait3A_81 = arith.constant 0 : i32
    %dma_wait3A_82 = tpu.memref_slice %arg4[%add3A_64, %dma_wait3A_81] : memref<16384x256xf32, #tpu.memory_space<hbm>> -> memref<32x256xf32, #tpu.memory_space<hbm>>
    %dma_wait3A_83 = arith.constant 0 : i32
    %dma_wait3A_84 = tpu.memref_slice %arg4[%add3A_64, %dma_wait3A_83] : memref<16384x256xf32, #tpu.memory_space<hbm>> -> memref<32x256xf32, #tpu.memory_space<hbm>>
    tpu.wait_dma2 semaphore(%arg17 : memref<!tpu.dma_semaphore, #tpu.memory_space<semaphore_mem>>) src(%arg9 : memref<32x256xf32, #tpu.memory_space<vmem>>) dst(%dma_wait3A_84 : memref<32x256xf32, #tpu.memory_space<hbm>>)
    return
  }
}

module attributes {stable_mosaic.version = 14 : i64} {
  func.func @body(%arg0: i32, %arg1: memref<2048x256xf32, #tpu.memory_space<vmem>>, %arg2: memref<1024x256xf32, #tpu.memory_space<vmem>>, %arg3: memref<1024xf32, #tpu.memory_space<vmem>>, %arg4: memref<2048xi32, #tpu.memory_space<vmem>>, %arg5: memref<1x1xf32, #tpu.memory_space<smem>>) attributes {dimension_semantics = [#tpu.dimension_semantics<arbitrary>], iteration_bounds = array<i64: 2>, scalar_prefetch = 0 : i64, scratch_operands = 0 : i64, tpu.core_type = #tpu.core_type<tc>, window_params = [{transform_indices = @transform_0, window_bounds = array<i64: 2048, 256>}, {pipeline_mode = #tpu.pipeline_mode<synchronous>, transform_indices = @transform_1, window_bounds = array<i64: 1024, 256>}, {pipeline_mode = #tpu.pipeline_mode<synchronous>, transform_indices = @transform_2, window_bounds = array<i64: 1024>}, {transform_indices = @transform_3, window_bounds = array<i64: 2048>}, {transform_indices = @transform_4, window_bounds = array<i64: 1, 1>}]} {
    %eq3A = arith.constant 0 : i32
    %eq3A_0 = arith.cmpi eq, %arg0, %eq3A : i32
    %convert_element_type3A = arith.extui %eq3A_0 : i1 to i32
    %cond3A = arith.constant 0 : i32
    %cond3A_1 = arith.cmpi ne, %convert_element_type3A, %cond3A : i32
    scf.if %cond3A_1 {
      %swap3A_127 = arith.constant 0.000000e+00 : f32
      %swap3A_128 = arith.constant 0 : index
      %swap3A_129 = arith.constant 0 : index
      %swap3A_130 = memref.load %arg5[%swap3A_128, %swap3A_129] : memref<1x1xf32, #tpu.memory_space<smem>>
      memref.store %swap3A_127, %arg5[%swap3A_128, %swap3A_129] : memref<1x1xf32, #tpu.memory_space<smem>>
    } else {
    }
    %get3A = arith.constant 0 : index
    %get3A_2 = arith.constant 0 : index
    %get3A_3 = vector.load %arg1[%get3A, %get3A_2] : memref<2048x256xf32, #tpu.memory_space<vmem>>, vector<2048x256xf32>
    %get3A_4 = arith.constant 0 : index
    %get3A_5 = arith.constant 0 : index
    %get3A_6 = vector.load %arg2[%get3A_4, %get3A_5] : memref<1024x256xf32, #tpu.memory_space<vmem>>, vector<1024x256xf32>
    %dot_general3A = arith.constant dense<0.000000e+00> : vector<2048x1024xf32>
    %dot_general3A_7 = tpu.matmul %get3A_3, %get3A_6, %dot_general3A {dimension_numbers = #tpu.dot_dimension_numbers<[1], [1], [0], [0], [0, 0, 1, 0], [], []>, transpose_lhs_hint = false} : vector<2048x256xf32>, vector<1024x256xf32>, vector<2048x1024xf32> -> vector<2048x1024xf32>
    %mul3A = arith.mulf %get3A_3, %get3A_3 : vector<2048x256xf32>
    %reduce_sum3A = arith.constant dense<0.000000e+00> : vector<2048xf32>
    %reduce_sum3A_8 = vector.multi_reduction <add>, %mul3A, %reduce_sum3A [1] : vector<2048x256xf32> to vector<2048xf32>
    %broadcast_in_dim3A = vector.shape_cast %reduce_sum3A_8 : vector<2048xf32> to vector<2048x1xf32>
    %get3A_9 = arith.constant 0 : index
    %get3A_10 = vector.load %arg3[%get3A_9] : memref<1024xf32, #tpu.memory_space<vmem>>, vector<1024xf32>
    %slice3A = vector.extract_strided_slice %dot_general3A_7 {offsets = [0, 0], sizes = [2048, 128], strides = [1, 1]} : vector<2048x1024xf32> to vector<2048x128xf32>
    %add3A = vector.broadcast %broadcast_in_dim3A : vector<2048x1xf32> to vector<2048x128xf32>
    %add3A_11 = arith.addf %add3A, %slice3A : vector<2048x128xf32>
    %slice3A_12 = vector.extract_strided_slice %get3A_10 {offsets = [0], sizes = [128], strides = [1]} : vector<1024xf32> to vector<128xf32>
    %broadcast_in_dim3A_13 = vector.shape_cast %slice3A_12 : vector<128xf32> to vector<1x128xf32>
    %add3A_14 = vector.broadcast %broadcast_in_dim3A_13 : vector<1x128xf32> to vector<2048x128xf32>
    %add3A_15 = arith.addf %add3A_11, %add3A_14 : vector<2048x128xf32>
    %broadcast_in_dim3A_16 = arith.constant 0 : i32
    %broadcast_in_dim3A_17 = vector.broadcast %broadcast_in_dim3A_16 : i32 to vector<2048x128xi32>
    %slice3A_18 = vector.extract_strided_slice %dot_general3A_7 {offsets = [0, 128], sizes = [2048, 128], strides = [1, 1]} : vector<2048x1024xf32> to vector<2048x128xf32>
    %add3A_19 = vector.broadcast %broadcast_in_dim3A : vector<2048x1xf32> to vector<2048x128xf32>
    %add3A_20 = arith.addf %add3A_19, %slice3A_18 : vector<2048x128xf32>
    %slice3A_21 = vector.extract_strided_slice %get3A_10 {offsets = [128], sizes = [128], strides = [1]} : vector<1024xf32> to vector<128xf32>
    %broadcast_in_dim3A_22 = vector.shape_cast %slice3A_21 : vector<128xf32> to vector<1x128xf32>
    %add3A_23 = vector.broadcast %broadcast_in_dim3A_22 : vector<1x128xf32> to vector<2048x128xf32>
    %add3A_24 = arith.addf %add3A_20, %add3A_23 : vector<2048x128xf32>
    %lt3A = arith.cmpf olt, %add3A_24, %add3A_15 : vector<2048x128xf32>
    %min3A = arith.minimumf %add3A_15, %add3A_24 : vector<2048x128xf32>
    %jit3A = arith.constant 1 : i32
    %broadcast_in_dim3A_25 = vector.broadcast %jit3A : i32 to vector<2048x128xi32>
    %select_n3A = arith.select %lt3A, %broadcast_in_dim3A_25, %broadcast_in_dim3A_17 : vector<2048x128xi1>, vector<2048x128xi32>
    %slice3A_26 = vector.extract_strided_slice %dot_general3A_7 {offsets = [0, 256], sizes = [2048, 128], strides = [1, 1]} : vector<2048x1024xf32> to vector<2048x128xf32>
    %add3A_27 = vector.broadcast %broadcast_in_dim3A : vector<2048x1xf32> to vector<2048x128xf32>
    %add3A_28 = arith.addf %add3A_27, %slice3A_26 : vector<2048x128xf32>
    %slice3A_29 = vector.extract_strided_slice %get3A_10 {offsets = [256], sizes = [128], strides = [1]} : vector<1024xf32> to vector<128xf32>
    %broadcast_in_dim3A_30 = vector.shape_cast %slice3A_29 : vector<128xf32> to vector<1x128xf32>
    %add3A_31 = vector.broadcast %broadcast_in_dim3A_30 : vector<1x128xf32> to vector<2048x128xf32>
    %add3A_32 = arith.addf %add3A_28, %add3A_31 : vector<2048x128xf32>
    %lt3A_33 = arith.cmpf olt, %add3A_32, %min3A : vector<2048x128xf32>
    %min3A_34 = arith.minimumf %min3A, %add3A_32 : vector<2048x128xf32>
    %jit3A_35 = arith.constant 2 : i32
    %broadcast_in_dim3A_36 = vector.broadcast %jit3A_35 : i32 to vector<2048x128xi32>
    %select_n3A_37 = arith.select %lt3A_33, %broadcast_in_dim3A_36, %select_n3A : vector<2048x128xi1>, vector<2048x128xi32>
    %slice3A_38 = vector.extract_strided_slice %dot_general3A_7 {offsets = [0, 384], sizes = [2048, 128], strides = [1, 1]} : vector<2048x1024xf32> to vector<2048x128xf32>
    %add3A_39 = vector.broadcast %broadcast_in_dim3A : vector<2048x1xf32> to vector<2048x128xf32>
    %add3A_40 = arith.addf %add3A_39, %slice3A_38 : vector<2048x128xf32>
    %slice3A_41 = vector.extract_strided_slice %get3A_10 {offsets = [384], sizes = [128], strides = [1]} : vector<1024xf32> to vector<128xf32>
    %broadcast_in_dim3A_42 = vector.shape_cast %slice3A_41 : vector<128xf32> to vector<1x128xf32>
    %add3A_43 = vector.broadcast %broadcast_in_dim3A_42 : vector<1x128xf32> to vector<2048x128xf32>
    %add3A_44 = arith.addf %add3A_40, %add3A_43 : vector<2048x128xf32>
    %lt3A_45 = arith.cmpf olt, %add3A_44, %min3A_34 : vector<2048x128xf32>
    %min3A_46 = arith.minimumf %min3A_34, %add3A_44 : vector<2048x128xf32>
    %jit3A_47 = arith.constant 3 : i32
    %broadcast_in_dim3A_48 = vector.broadcast %jit3A_47 : i32 to vector<2048x128xi32>
    %select_n3A_49 = arith.select %lt3A_45, %broadcast_in_dim3A_48, %select_n3A_37 : vector<2048x128xi1>, vector<2048x128xi32>
    %slice3A_50 = vector.extract_strided_slice %dot_general3A_7 {offsets = [0, 512], sizes = [2048, 128], strides = [1, 1]} : vector<2048x1024xf32> to vector<2048x128xf32>
    %add3A_51 = vector.broadcast %broadcast_in_dim3A : vector<2048x1xf32> to vector<2048x128xf32>
    %add3A_52 = arith.addf %add3A_51, %slice3A_50 : vector<2048x128xf32>
    %slice3A_53 = vector.extract_strided_slice %get3A_10 {offsets = [512], sizes = [128], strides = [1]} : vector<1024xf32> to vector<128xf32>
    %broadcast_in_dim3A_54 = vector.shape_cast %slice3A_53 : vector<128xf32> to vector<1x128xf32>
    %add3A_55 = vector.broadcast %broadcast_in_dim3A_54 : vector<1x128xf32> to vector<2048x128xf32>
    %add3A_56 = arith.addf %add3A_52, %add3A_55 : vector<2048x128xf32>
    %lt3A_57 = arith.cmpf olt, %add3A_56, %min3A_46 : vector<2048x128xf32>
    %min3A_58 = arith.minimumf %min3A_46, %add3A_56 : vector<2048x128xf32>
    %jit3A_59 = arith.constant 4 : i32
    %broadcast_in_dim3A_60 = vector.broadcast %jit3A_59 : i32 to vector<2048x128xi32>
    %select_n3A_61 = arith.select %lt3A_57, %broadcast_in_dim3A_60, %select_n3A_49 : vector<2048x128xi1>, vector<2048x128xi32>
    %slice3A_62 = vector.extract_strided_slice %dot_general3A_7 {offsets = [0, 640], sizes = [2048, 128], strides = [1, 1]} : vector<2048x1024xf32> to vector<2048x128xf32>
    %add3A_63 = vector.broadcast %broadcast_in_dim3A : vector<2048x1xf32> to vector<2048x128xf32>
    %add3A_64 = arith.addf %add3A_63, %slice3A_62 : vector<2048x128xf32>
    %slice3A_65 = vector.extract_strided_slice %get3A_10 {offsets = [640], sizes = [128], strides = [1]} : vector<1024xf32> to vector<128xf32>
    %broadcast_in_dim3A_66 = vector.shape_cast %slice3A_65 : vector<128xf32> to vector<1x128xf32>
    %add3A_67 = vector.broadcast %broadcast_in_dim3A_66 : vector<1x128xf32> to vector<2048x128xf32>
    %add3A_68 = arith.addf %add3A_64, %add3A_67 : vector<2048x128xf32>
    %lt3A_69 = arith.cmpf olt, %add3A_68, %min3A_58 : vector<2048x128xf32>
    %min3A_70 = arith.minimumf %min3A_58, %add3A_68 : vector<2048x128xf32>
    %jit3A_71 = arith.constant 5 : i32
    %broadcast_in_dim3A_72 = vector.broadcast %jit3A_71 : i32 to vector<2048x128xi32>
    %select_n3A_73 = arith.select %lt3A_69, %broadcast_in_dim3A_72, %select_n3A_61 : vector<2048x128xi1>, vector<2048x128xi32>
    %slice3A_74 = vector.extract_strided_slice %dot_general3A_7 {offsets = [0, 768], sizes = [2048, 128], strides = [1, 1]} : vector<2048x1024xf32> to vector<2048x128xf32>
    %add3A_75 = vector.broadcast %broadcast_in_dim3A : vector<2048x1xf32> to vector<2048x128xf32>
    %add3A_76 = arith.addf %add3A_75, %slice3A_74 : vector<2048x128xf32>
    %slice3A_77 = vector.extract_strided_slice %get3A_10 {offsets = [768], sizes = [128], strides = [1]} : vector<1024xf32> to vector<128xf32>
    %broadcast_in_dim3A_78 = vector.shape_cast %slice3A_77 : vector<128xf32> to vector<1x128xf32>
    %add3A_79 = vector.broadcast %broadcast_in_dim3A_78 : vector<1x128xf32> to vector<2048x128xf32>
    %add3A_80 = arith.addf %add3A_76, %add3A_79 : vector<2048x128xf32>
    %lt3A_81 = arith.cmpf olt, %add3A_80, %min3A_70 : vector<2048x128xf32>
    %min3A_82 = arith.minimumf %min3A_70, %add3A_80 : vector<2048x128xf32>
    %jit3A_83 = arith.constant 6 : i32
    %broadcast_in_dim3A_84 = vector.broadcast %jit3A_83 : i32 to vector<2048x128xi32>
    %select_n3A_85 = arith.select %lt3A_81, %broadcast_in_dim3A_84, %select_n3A_73 : vector<2048x128xi1>, vector<2048x128xi32>
    %slice3A_86 = vector.extract_strided_slice %dot_general3A_7 {offsets = [0, 896], sizes = [2048, 128], strides = [1, 1]} : vector<2048x1024xf32> to vector<2048x128xf32>
    %add3A_87 = vector.broadcast %broadcast_in_dim3A : vector<2048x1xf32> to vector<2048x128xf32>
    %add3A_88 = arith.addf %add3A_87, %slice3A_86 : vector<2048x128xf32>
    %slice3A_89 = vector.extract_strided_slice %get3A_10 {offsets = [896], sizes = [128], strides = [1]} : vector<1024xf32> to vector<128xf32>
    %broadcast_in_dim3A_90 = vector.shape_cast %slice3A_89 : vector<128xf32> to vector<1x128xf32>
    %add3A_91 = vector.broadcast %broadcast_in_dim3A_90 : vector<1x128xf32> to vector<2048x128xf32>
    %add3A_92 = arith.addf %add3A_88, %add3A_91 : vector<2048x128xf32>
    %lt3A_93 = arith.cmpf olt, %add3A_92, %min3A_82 : vector<2048x128xf32>
    %min3A_94 = arith.minimumf %min3A_82, %add3A_92 : vector<2048x128xf32>
    %jit3A_95 = arith.constant 7 : i32
    %broadcast_in_dim3A_96 = vector.broadcast %jit3A_95 : i32 to vector<2048x128xi32>
    %select_n3A_97 = arith.select %lt3A_93, %broadcast_in_dim3A_96, %select_n3A_85 : vector<2048x128xi1>, vector<2048x128xi32>
    %mul3A_98 = arith.constant 128 : i32
    %mul3A_99 = vector.broadcast %mul3A_98 : i32 to vector<2048x128xi32>
    %mul3A_100 = arith.muli %select_n3A_97, %mul3A_99 : vector<2048x128xi32>
    %iota3A = tpu.iota {dimensions = array<i32: 1>} : vector<2048x128xi32>
    %add3A_101 = arith.addi %mul3A_100, %iota3A : vector<2048x128xi32>
    %transpose3A = tpu.transpose %min3A_94, [1, 0] : vector<2048x128xf32> -> vector<128x2048xf32>
    %transpose3A_102 = tpu.transpose %add3A_101, [1, 0] : vector<2048x128xi32> -> vector<128x2048xi32>
    %reduce_min3A = arith.constant dense<0x7F800000> : vector<2048xf32>
    %reduce_min3A_103 = vector.multi_reduction <minimumf>, %transpose3A, %reduce_min3A [0] : vector<128x2048xf32> to vector<2048xf32>
    %broadcast_in_dim3A_104 = vector.shape_cast %reduce_min3A_103 : vector<2048xf32> to vector<1x2048xf32>
    %eq3A_105 = vector.broadcast %broadcast_in_dim3A_104 : vector<1x2048xf32> to vector<128x2048xf32>
    %eq3A_106 = arith.cmpf oeq, %transpose3A, %eq3A_105 : vector<128x2048xf32>
    %jit3A_107 = arith.constant 1024 : i32
    %broadcast_in_dim3A_108 = vector.broadcast %jit3A_107 : i32 to vector<128x2048xi32>
    %select_n3A_109 = arith.select %eq3A_106, %transpose3A_102, %broadcast_in_dim3A_108 : vector<128x2048xi1>, vector<128x2048xi32>
    %reduce_min3A_110 = arith.constant dense<2147483647> : vector<2048xi32>
    %reduce_min3A_111 = vector.multi_reduction <minsi>, %select_n3A_109, %reduce_min3A_110 [0] : vector<128x2048xi32> to vector<2048xi32>
    %swap3A = arith.constant 0 : index
    %swap3A_112 = vector.load %arg4[%swap3A] : memref<2048xi32, #tpu.memory_space<vmem>>, vector<2048xi32>
    tpu.vector_store %arg4[%swap3A], %reduce_min3A_111 {strides = array<i32>} : memref<2048xi32, #tpu.memory_space<vmem>>, vector<2048xi32>,
    %get3A_113 = arith.constant 0 : index
    %get3A_114 = arith.constant 0 : index
    %get3A_115 = memref.load %arg5[%get3A_113, %get3A_114] : memref<1x1xf32, #tpu.memory_space<smem>>
    %max3A = arith.constant 0.000000e+00 : f32
    %max3A_116 = vector.broadcast %max3A : f32 to vector<1x2048xf32>
    %max3A_117 = arith.maximumf %broadcast_in_dim3A_104, %max3A_116 : vector<1x2048xf32>
    %reduce_sum3A_118 = vector.shape_cast %max3A_117 : vector<1x2048xf32> to vector<1x1x2048xf32>
    %reduce_sum3A_119 = arith.constant dense<0.000000e+00> : vector<1xf32>
    %reduce_sum3A_120 = vector.multi_reduction <add>, %reduce_sum3A_118, %reduce_sum3A_119 [1, 2] : vector<1x1x2048xf32> to vector<1xf32>
    %reduce_sum3A_121 = vector.shape_cast %reduce_sum3A_120 : vector<1xf32> to vector<1x1x1xf32>
    %reduce_sum3A_122 = vector.extract %reduce_sum3A_121[0, 0, 0] : f32 from vector<1x1x1xf32>
    %add3A_123 = arith.addf %get3A_115, %reduce_sum3A_122 : f32
    %swap3A_124 = arith.constant 0 : index
    %swap3A_125 = arith.constant 0 : index
    %swap3A_126 = memref.load %arg5[%swap3A_124, %swap3A_125] : memref<1x1xf32, #tpu.memory_space<smem>>
    memref.store %add3A_123, %arg5[%swap3A_124, %swap3A_125] : memref<1x1xf32, #tpu.memory_space<smem>>
    return
  }
  func.func @transform_0(%arg0: i32) -> (i32, i32) {
    %add3A = arith.constant 0 : i32
    %add3A_0 = arith.addi %add3A, %arg0 : i32
    %c0_i32 = arith.constant 0 : i32
    %c0_i32_1 = arith.constant 0 : i32
    return %add3A_0, %c0_i32 : i32, i32
  }
  func.func @transform_1(%arg0: i32) -> (i32, i32) {
    %c0_i32 = arith.constant 0 : i32
    %c0_i32_0 = arith.constant 0 : i32
    %c0_i32_1 = arith.constant 0 : i32
    return %c0_i32, %c0_i32_0 : i32, i32
  }
  func.func @transform_2(%arg0: i32) -> i32 {
    %c0_i32 = arith.constant 0 : i32
    %c0_i32_0 = arith.constant 0 : i32
    return %c0_i32 : i32
  }
  func.func @transform_3(%arg0: i32) -> i32 {
    %c0_i32 = arith.constant 0 : i32
    return %arg0 : i32
  }
  func.func @transform_4(%arg0: i32) -> (i32, i32) {
    %c0_i32 = arith.constant 0 : i32
    %c0_i32_0 = arith.constant 0 : i32
    %c0_i32_1 = arith.constant 0 : i32
    return %c0_i32, %c0_i32_0 : i32, i32
  }
}

module attributes {stable_mosaic.version = 14 : i64} {
  func.func @body(%arg0: i32, %arg1: memref<2048x256xf32, #tpu.memory_space<vmem>>, %arg2: memref<1024x256xf32, #tpu.memory_space<vmem>>, %arg3: memref<1024xf32, #tpu.memory_space<vmem>>, %arg4: memref<2048xi32, #tpu.memory_space<vmem>>, %arg5: memref<1x1xf32, #tpu.memory_space<smem>>) attributes {dimension_semantics = [#tpu.dimension_semantics<arbitrary>], iteration_bounds = array<i64: 2>, scalar_prefetch = 0 : i64, scratch_operands = 0 : i64, tpu.core_type = #tpu.core_type<tc>, window_params = [{transform_indices = @transform_0, window_bounds = array<i64: 2048, 256>}, {pipeline_mode = #tpu.pipeline_mode<synchronous>, transform_indices = @transform_1, window_bounds = array<i64: 1024, 256>}, {pipeline_mode = #tpu.pipeline_mode<synchronous>, transform_indices = @transform_2, window_bounds = array<i64: 1024>}, {transform_indices = @transform_3, window_bounds = array<i64: 2048>}, {transform_indices = @transform_4, window_bounds = array<i64: 1, 1>}]} {
    %eq3A = arith.constant 0 : i32
    %eq3A_0 = arith.cmpi eq, %arg0, %eq3A : i32
    %convert_element_type3A = arith.extui %eq3A_0 : i1 to i32
    %cond3A = arith.constant 0 : i32
    %cond3A_1 = arith.cmpi ne, %convert_element_type3A, %cond3A : i32
    scf.if %cond3A_1 {
      %swap3A_127 = arith.constant 0.000000e+00 : f32
      %swap3A_128 = arith.constant 0 : index
      %swap3A_129 = arith.constant 0 : index
      %swap3A_130 = memref.load %arg5[%swap3A_128, %swap3A_129] : memref<1x1xf32, #tpu.memory_space<smem>>
      memref.store %swap3A_127, %arg5[%swap3A_128, %swap3A_129] : memref<1x1xf32, #tpu.memory_space<smem>>
    } else {
    }
    %get3A = arith.constant 0 : index
    %get3A_2 = arith.constant 0 : index
    %get3A_3 = vector.load %arg1[%get3A, %get3A_2] : memref<2048x256xf32, #tpu.memory_space<vmem>>, vector<2048x256xf32>
    %get3A_4 = arith.constant 0 : index
    %get3A_5 = arith.constant 0 : index
    %get3A_6 = vector.load %arg2[%get3A_4, %get3A_5] : memref<1024x256xf32, #tpu.memory_space<vmem>>, vector<1024x256xf32>
    %dot_general3A = arith.constant dense<0.000000e+00> : vector<2048x1024xf32>
    %dot_general3A_7 = tpu.matmul %get3A_3, %get3A_6, %dot_general3A {dimension_numbers = #tpu.dot_dimension_numbers<[1], [1], [0], [0], [0, 0, 1, 0], [], []>, transpose_lhs_hint = false} : vector<2048x256xf32>, vector<1024x256xf32>, vector<2048x1024xf32> -> vector<2048x1024xf32>
    %mul3A = arith.mulf %get3A_3, %get3A_3 : vector<2048x256xf32>
    %reduce_sum3A = arith.constant dense<0.000000e+00> : vector<2048xf32>
    %reduce_sum3A_8 = vector.multi_reduction <add>, %mul3A, %reduce_sum3A [1] : vector<2048x256xf32> to vector<2048xf32>
    %broadcast_in_dim3A = vector.shape_cast %reduce_sum3A_8 : vector<2048xf32> to vector<2048x1xf32>
    %get3A_9 = arith.constant 0 : index
    %get3A_10 = vector.load %arg3[%get3A_9] : memref<1024xf32, #tpu.memory_space<vmem>>, vector<1024xf32>
    %slice3A = vector.extract_strided_slice %dot_general3A_7 {offsets = [0, 0], sizes = [2048, 128], strides = [1, 1]} : vector<2048x1024xf32> to vector<2048x128xf32>
    %add3A = vector.broadcast %broadcast_in_dim3A : vector<2048x1xf32> to vector<2048x128xf32>
    %add3A_11 = arith.addf %add3A, %slice3A : vector<2048x128xf32>
    %slice3A_12 = vector.extract_strided_slice %get3A_10 {offsets = [0], sizes = [128], strides = [1]} : vector<1024xf32> to vector<128xf32>
    %broadcast_in_dim3A_13 = vector.shape_cast %slice3A_12 : vector<128xf32> to vector<1x128xf32>
    %add3A_14 = vector.broadcast %broadcast_in_dim3A_13 : vector<1x128xf32> to vector<2048x128xf32>
    %add3A_15 = arith.addf %add3A_11, %add3A_14 : vector<2048x128xf32>
    %broadcast_in_dim3A_16 = arith.constant 0 : i32
    %broadcast_in_dim3A_17 = vector.broadcast %broadcast_in_dim3A_16 : i32 to vector<2048x128xi32>
    %slice3A_18 = vector.extract_strided_slice %dot_general3A_7 {offsets = [0, 128], sizes = [2048, 128], strides = [1, 1]} : vector<2048x1024xf32> to vector<2048x128xf32>
    %add3A_19 = vector.broadcast %broadcast_in_dim3A : vector<2048x1xf32> to vector<2048x128xf32>
    %add3A_20 = arith.addf %add3A_19, %slice3A_18 : vector<2048x128xf32>
    %slice3A_21 = vector.extract_strided_slice %get3A_10 {offsets = [128], sizes = [128], strides = [1]} : vector<1024xf32> to vector<128xf32>
    %broadcast_in_dim3A_22 = vector.shape_cast %slice3A_21 : vector<128xf32> to vector<1x128xf32>
    %add3A_23 = vector.broadcast %broadcast_in_dim3A_22 : vector<1x128xf32> to vector<2048x128xf32>
    %add3A_24 = arith.addf %add3A_20, %add3A_23 : vector<2048x128xf32>
    %lt3A = arith.cmpf olt, %add3A_24, %add3A_15 : vector<2048x128xf32>
    %min3A = arith.minimumf %add3A_15, %add3A_24 : vector<2048x128xf32>
    %jit3A = arith.constant 1 : i32
    %broadcast_in_dim3A_25 = vector.broadcast %jit3A : i32 to vector<2048x128xi32>
    %select_n3A = arith.select %lt3A, %broadcast_in_dim3A_25, %broadcast_in_dim3A_17 : vector<2048x128xi1>, vector<2048x128xi32>
    %slice3A_26 = vector.extract_strided_slice %dot_general3A_7 {offsets = [0, 256], sizes = [2048, 128], strides = [1, 1]} : vector<2048x1024xf32> to vector<2048x128xf32>
    %add3A_27 = vector.broadcast %broadcast_in_dim3A : vector<2048x1xf32> to vector<2048x128xf32>
    %add3A_28 = arith.addf %add3A_27, %slice3A_26 : vector<2048x128xf32>
    %slice3A_29 = vector.extract_strided_slice %get3A_10 {offsets = [256], sizes = [128], strides = [1]} : vector<1024xf32> to vector<128xf32>
    %broadcast_in_dim3A_30 = vector.shape_cast %slice3A_29 : vector<128xf32> to vector<1x128xf32>
    %add3A_31 = vector.broadcast %broadcast_in_dim3A_30 : vector<1x128xf32> to vector<2048x128xf32>
    %add3A_32 = arith.addf %add3A_28, %add3A_31 : vector<2048x128xf32>
    %lt3A_33 = arith.cmpf olt, %add3A_32, %min3A : vector<2048x128xf32>
    %min3A_34 = arith.minimumf %min3A, %add3A_32 : vector<2048x128xf32>
    %jit3A_35 = arith.constant 2 : i32
    %broadcast_in_dim3A_36 = vector.broadcast %jit3A_35 : i32 to vector<2048x128xi32>
    %select_n3A_37 = arith.select %lt3A_33, %broadcast_in_dim3A_36, %select_n3A : vector<2048x128xi1>, vector<2048x128xi32>
    %slice3A_38 = vector.extract_strided_slice %dot_general3A_7 {offsets = [0, 384], sizes = [2048, 128], strides = [1, 1]} : vector<2048x1024xf32> to vector<2048x128xf32>
    %add3A_39 = vector.broadcast %broadcast_in_dim3A : vector<2048x1xf32> to vector<2048x128xf32>
    %add3A_40 = arith.addf %add3A_39, %slice3A_38 : vector<2048x128xf32>
    %slice3A_41 = vector.extract_strided_slice %get3A_10 {offsets = [384], sizes = [128], strides = [1]} : vector<1024xf32> to vector<128xf32>
    %broadcast_in_dim3A_42 = vector.shape_cast %slice3A_41 : vector<128xf32> to vector<1x128xf32>
    %add3A_43 = vector.broadcast %broadcast_in_dim3A_42 : vector<1x128xf32> to vector<2048x128xf32>
    %add3A_44 = arith.addf %add3A_40, %add3A_43 : vector<2048x128xf32>
    %lt3A_45 = arith.cmpf olt, %add3A_44, %min3A_34 : vector<2048x128xf32>
    %min3A_46 = arith.minimumf %min3A_34, %add3A_44 : vector<2048x128xf32>
    %jit3A_47 = arith.constant 3 : i32
    %broadcast_in_dim3A_48 = vector.broadcast %jit3A_47 : i32 to vector<2048x128xi32>
    %select_n3A_49 = arith.select %lt3A_45, %broadcast_in_dim3A_48, %select_n3A_37 : vector<2048x128xi1>, vector<2048x128xi32>
    %slice3A_50 = vector.extract_strided_slice %dot_general3A_7 {offsets = [0, 512], sizes = [2048, 128], strides = [1, 1]} : vector<2048x1024xf32> to vector<2048x128xf32>
    %add3A_51 = vector.broadcast %broadcast_in_dim3A : vector<2048x1xf32> to vector<2048x128xf32>
    %add3A_52 = arith.addf %add3A_51, %slice3A_50 : vector<2048x128xf32>
    %slice3A_53 = vector.extract_strided_slice %get3A_10 {offsets = [512], sizes = [128], strides = [1]} : vector<1024xf32> to vector<128xf32>
    %broadcast_in_dim3A_54 = vector.shape_cast %slice3A_53 : vector<128xf32> to vector<1x128xf32>
    %add3A_55 = vector.broadcast %broadcast_in_dim3A_54 : vector<1x128xf32> to vector<2048x128xf32>
    %add3A_56 = arith.addf %add3A_52, %add3A_55 : vector<2048x128xf32>
    %lt3A_57 = arith.cmpf olt, %add3A_56, %min3A_46 : vector<2048x128xf32>
    %min3A_58 = arith.minimumf %min3A_46, %add3A_56 : vector<2048x128xf32>
    %jit3A_59 = arith.constant 4 : i32
    %broadcast_in_dim3A_60 = vector.broadcast %jit3A_59 : i32 to vector<2048x128xi32>
    %select_n3A_61 = arith.select %lt3A_57, %broadcast_in_dim3A_60, %select_n3A_49 : vector<2048x128xi1>, vector<2048x128xi32>
    %slice3A_62 = vector.extract_strided_slice %dot_general3A_7 {offsets = [0, 640], sizes = [2048, 128], strides = [1, 1]} : vector<2048x1024xf32> to vector<2048x128xf32>
    %add3A_63 = vector.broadcast %broadcast_in_dim3A : vector<2048x1xf32> to vector<2048x128xf32>
    %add3A_64 = arith.addf %add3A_63, %slice3A_62 : vector<2048x128xf32>
    %slice3A_65 = vector.extract_strided_slice %get3A_10 {offsets = [640], sizes = [128], strides = [1]} : vector<1024xf32> to vector<128xf32>
    %broadcast_in_dim3A_66 = vector.shape_cast %slice3A_65 : vector<128xf32> to vector<1x128xf32>
    %add3A_67 = vector.broadcast %broadcast_in_dim3A_66 : vector<1x128xf32> to vector<2048x128xf32>
    %add3A_68 = arith.addf %add3A_64, %add3A_67 : vector<2048x128xf32>
    %lt3A_69 = arith.cmpf olt, %add3A_68, %min3A_58 : vector<2048x128xf32>
    %min3A_70 = arith.minimumf %min3A_58, %add3A_68 : vector<2048x128xf32>
    %jit3A_71 = arith.constant 5 : i32
    %broadcast_in_dim3A_72 = vector.broadcast %jit3A_71 : i32 to vector<2048x128xi32>
    %select_n3A_73 = arith.select %lt3A_69, %broadcast_in_dim3A_72, %select_n3A_61 : vector<2048x128xi1>, vector<2048x128xi32>
    %slice3A_74 = vector.extract_strided_slice %dot_general3A_7 {offsets = [0, 768], sizes = [2048, 128], strides = [1, 1]} : vector<2048x1024xf32> to vector<2048x128xf32>
    %add3A_75 = vector.broadcast %broadcast_in_dim3A : vector<2048x1xf32> to vector<2048x128xf32>
    %add3A_76 = arith.addf %add3A_75, %slice3A_74 : vector<2048x128xf32>
    %slice3A_77 = vector.extract_strided_slice %get3A_10 {offsets = [768], sizes = [128], strides = [1]} : vector<1024xf32> to vector<128xf32>
    %broadcast_in_dim3A_78 = vector.shape_cast %slice3A_77 : vector<128xf32> to vector<1x128xf32>
    %add3A_79 = vector.broadcast %broadcast_in_dim3A_78 : vector<1x128xf32> to vector<2048x128xf32>
    %add3A_80 = arith.addf %add3A_76, %add3A_79 : vector<2048x128xf32>
    %lt3A_81 = arith.cmpf olt, %add3A_80, %min3A_70 : vector<2048x128xf32>
    %min3A_82 = arith.minimumf %min3A_70, %add3A_80 : vector<2048x128xf32>
    %jit3A_83 = arith.constant 6 : i32
    %broadcast_in_dim3A_84 = vector.broadcast %jit3A_83 : i32 to vector<2048x128xi32>
    %select_n3A_85 = arith.select %lt3A_81, %broadcast_in_dim3A_84, %select_n3A_73 : vector<2048x128xi1>, vector<2048x128xi32>
    %slice3A_86 = vector.extract_strided_slice %dot_general3A_7 {offsets = [0, 896], sizes = [2048, 128], strides = [1, 1]} : vector<2048x1024xf32> to vector<2048x128xf32>
    %add3A_87 = vector.broadcast %broadcast_in_dim3A : vector<2048x1xf32> to vector<2048x128xf32>
    %add3A_88 = arith.addf %add3A_87, %slice3A_86 : vector<2048x128xf32>
    %slice3A_89 = vector.extract_strided_slice %get3A_10 {offsets = [896], sizes = [128], strides = [1]} : vector<1024xf32> to vector<128xf32>
    %broadcast_in_dim3A_90 = vector.shape_cast %slice3A_89 : vector<128xf32> to vector<1x128xf32>
    %add3A_91 = vector.broadcast %broadcast_in_dim3A_90 : vector<1x128xf32> to vector<2048x128xf32>
    %add3A_92 = arith.addf %add3A_88, %add3A_91 : vector<2048x128xf32>
    %lt3A_93 = arith.cmpf olt, %add3A_92, %min3A_82 : vector<2048x128xf32>
    %min3A_94 = arith.minimumf %min3A_82, %add3A_92 : vector<2048x128xf32>
    %jit3A_95 = arith.constant 7 : i32
    %broadcast_in_dim3A_96 = vector.broadcast %jit3A_95 : i32 to vector<2048x128xi32>
    %select_n3A_97 = arith.select %lt3A_93, %broadcast_in_dim3A_96, %select_n3A_85 : vector<2048x128xi1>, vector<2048x128xi32>
    %mul3A_98 = arith.constant 128 : i32
    %mul3A_99 = vector.broadcast %mul3A_98 : i32 to vector<2048x128xi32>
    %mul3A_100 = arith.muli %select_n3A_97, %mul3A_99 : vector<2048x128xi32>
    %iota3A = tpu.iota {dimensions = array<i32: 1>} : vector<2048x128xi32>
    %add3A_101 = arith.addi %mul3A_100, %iota3A : vector<2048x128xi32>
    %transpose3A = tpu.transpose %min3A_94, [1, 0] : vector<2048x128xf32> -> vector<128x2048xf32>
    %transpose3A_102 = tpu.transpose %add3A_101, [1, 0] : vector<2048x128xi32> -> vector<128x2048xi32>
    %reduce_min3A = arith.constant dense<0x7F800000> : vector<2048xf32>
    %reduce_min3A_103 = vector.multi_reduction <minimumf>, %transpose3A, %reduce_min3A [0] : vector<128x2048xf32> to vector<2048xf32>
    %broadcast_in_dim3A_104 = vector.shape_cast %reduce_min3A_103 : vector<2048xf32> to vector<1x2048xf32>
    %eq3A_105 = vector.broadcast %broadcast_in_dim3A_104 : vector<1x2048xf32> to vector<128x2048xf32>
    %eq3A_106 = arith.cmpf oeq, %transpose3A, %eq3A_105 : vector<128x2048xf32>
    %jit3A_107 = arith.constant 1024 : i32
    %broadcast_in_dim3A_108 = vector.broadcast %jit3A_107 : i32 to vector<128x2048xi32>
    %select_n3A_109 = arith.select %eq3A_106, %transpose3A_102, %broadcast_in_dim3A_108 : vector<128x2048xi1>, vector<128x2048xi32>
    %reduce_min3A_110 = arith.constant dense<2147483647> : vector<2048xi32>
    %reduce_min3A_111 = vector.multi_reduction <minsi>, %select_n3A_109, %reduce_min3A_110 [0] : vector<128x2048xi32> to vector<2048xi32>
    %swap3A = arith.constant 0 : index
    %swap3A_112 = vector.load %arg4[%swap3A] : memref<2048xi32, #tpu.memory_space<vmem>>, vector<2048xi32>
    tpu.vector_store %arg4[%swap3A], %reduce_min3A_111 {strides = array<i32>} : memref<2048xi32, #tpu.memory_space<vmem>>, vector<2048xi32>,
    %get3A_113 = arith.constant 0 : index
    %get3A_114 = arith.constant 0 : index
    %get3A_115 = memref.load %arg5[%get3A_113, %get3A_114] : memref<1x1xf32, #tpu.memory_space<smem>>
    %max3A = arith.constant 0.000000e+00 : f32
    %max3A_116 = vector.broadcast %max3A : f32 to vector<1x2048xf32>
    %max3A_117 = arith.maximumf %broadcast_in_dim3A_104, %max3A_116 : vector<1x2048xf32>
    %reduce_sum3A_118 = vector.shape_cast %max3A_117 : vector<1x2048xf32> to vector<1x1x2048xf32>
    %reduce_sum3A_119 = arith.constant dense<0.000000e+00> : vector<1xf32>
    %reduce_sum3A_120 = vector.multi_reduction <add>, %reduce_sum3A_118, %reduce_sum3A_119 [1, 2] : vector<1x1x2048xf32> to vector<1xf32>
    %reduce_sum3A_121 = vector.shape_cast %reduce_sum3A_120 : vector<1xf32> to vector<1x1x1xf32>
    %reduce_sum3A_122 = vector.extract %reduce_sum3A_121[0, 0, 0] : f32 from vector<1x1x1xf32>
    %add3A_123 = arith.addf %get3A_115, %reduce_sum3A_122 : f32
    %swap3A_124 = arith.constant 0 : index
    %swap3A_125 = arith.constant 0 : index
    %swap3A_126 = memref.load %arg5[%swap3A_124, %swap3A_125] : memref<1x1xf32, #tpu.memory_space<smem>>
    memref.store %add3A_123, %arg5[%swap3A_124, %swap3A_125] : memref<1x1xf32, #tpu.memory_space<smem>>
    return
  }
  func.func @transform_0(%arg0: i32) -> (i32, i32) {
    %add3A = arith.constant 2 : i32
    %add3A_0 = arith.addi %add3A, %arg0 : i32
    %c0_i32 = arith.constant 0 : i32
    %c0_i32_1 = arith.constant 0 : i32
    return %add3A_0, %c0_i32 : i32, i32
  }
  func.func @transform_1(%arg0: i32) -> (i32, i32) {
    %c0_i32 = arith.constant 0 : i32
    %c0_i32_0 = arith.constant 0 : i32
    %c0_i32_1 = arith.constant 0 : i32
    return %c0_i32, %c0_i32_0 : i32, i32
  }
  func.func @transform_2(%arg0: i32) -> i32 {
    %c0_i32 = arith.constant 0 : i32
    %c0_i32_0 = arith.constant 0 : i32
    return %c0_i32 : i32
  }
  func.func @transform_3(%arg0: i32) -> i32 {
    %c0_i32 = arith.constant 0 : i32
    return %arg0 : i32
  }
  func.func @transform_4(%arg0: i32) -> (i32, i32) {
    %c0_i32 = arith.constant 0 : i32
    %c0_i32_0 = arith.constant 0 : i32
    %c0_i32_1 = arith.constant 0 : i32
    return %c0_i32, %c0_i32_0 : i32, i32
  }
}

module attributes {stable_mosaic.version = 14 : i64} {
  func.func @body(%arg0: i32, %arg1: memref<2048x256xf32, #tpu.memory_space<vmem>>, %arg2: memref<1024x256xf32, #tpu.memory_space<vmem>>, %arg3: memref<1024xf32, #tpu.memory_space<vmem>>, %arg4: memref<16384x256xf32, #tpu.memory_space<any>>, %arg5: memref<2048xi32, #tpu.memory_space<vmem>>, %arg6: memref<1x1xf32, #tpu.memory_space<smem>>, %arg7: memref<2048x256xf32, #tpu.memory_space<vmem>>) attributes {dimension_semantics = [#tpu.dimension_semantics<arbitrary>], iteration_bounds = array<i64: 2>, scalar_prefetch = 0 : i64, scratch_operands = 0 : i64, tpu.core_type = #tpu.core_type<tc>, window_params = [{transform_indices = @transform_0, window_bounds = array<i64: 2048, 256>}, {pipeline_mode = #tpu.pipeline_mode<synchronous>, transform_indices = @transform_1, window_bounds = array<i64: 1024, 256>}, {pipeline_mode = #tpu.pipeline_mode<synchronous>, transform_indices = @transform_2, window_bounds = array<i64: 1024>}, {}, {transform_indices = @transform_4, window_bounds = array<i64: 2048>}, {transform_indices = @transform_5, window_bounds = array<i64: 1, 1>}, {transform_indices = @transform_6, window_bounds = array<i64: 2048, 256>}]} {
    %eq3A = arith.constant 0 : i32
    %eq3A_0 = arith.cmpi eq, %arg0, %eq3A : i32
    %convert_element_type3A = arith.extui %eq3A_0 : i1 to i32
    %cond3A = arith.constant 0 : i32
    %cond3A_1 = arith.cmpi ne, %convert_element_type3A, %cond3A : i32
    scf.if %cond3A_1 {
      %swap3A_144 = arith.constant 0.000000e+00 : f32
      %swap3A_145 = arith.constant 0 : index
      %swap3A_146 = arith.constant 0 : index
      %swap3A_147 = memref.load %arg6[%swap3A_145, %swap3A_146] : memref<1x1xf32, #tpu.memory_space<smem>>
      memref.store %swap3A_144, %arg6[%swap3A_145, %swap3A_146] : memref<1x1xf32, #tpu.memory_space<smem>>
    } else {
    }
    %get3A = arith.constant 0 : index
    %get3A_2 = arith.constant 0 : index
    %get3A_3 = vector.load %arg1[%get3A, %get3A_2] : memref<2048x256xf32, #tpu.memory_space<vmem>>, vector<2048x256xf32>
    %get3A_4 = arith.constant 0 : index
    %get3A_5 = arith.constant 0 : index
    %get3A_6 = vector.load %arg2[%get3A_4, %get3A_5] : memref<1024x256xf32, #tpu.memory_space<vmem>>, vector<1024x256xf32>
    %dot_general3A = arith.constant dense<0.000000e+00> : vector<2048x1024xf32>
    %dot_general3A_7 = tpu.matmul %get3A_3, %get3A_6, %dot_general3A {dimension_numbers = #tpu.dot_dimension_numbers<[1], [1], [0], [0], [0, 0, 1, 0], [], []>, transpose_lhs_hint = false} : vector<2048x256xf32>, vector<1024x256xf32>, vector<2048x1024xf32> -> vector<2048x1024xf32>
    %mul3A = arith.mulf %get3A_3, %get3A_3 : vector<2048x256xf32>
    %reduce_sum3A = arith.constant dense<0.000000e+00> : vector<2048xf32>
    %reduce_sum3A_8 = vector.multi_reduction <add>, %mul3A, %reduce_sum3A [1] : vector<2048x256xf32> to vector<2048xf32>
    %broadcast_in_dim3A = vector.shape_cast %reduce_sum3A_8 : vector<2048xf32> to vector<2048x1xf32>
    %get3A_9 = arith.constant 0 : index
    %get3A_10 = vector.load %arg3[%get3A_9] : memref<1024xf32, #tpu.memory_space<vmem>>, vector<1024xf32>
    %slice3A = vector.extract_strided_slice %dot_general3A_7 {offsets = [0, 0], sizes = [2048, 128], strides = [1, 1]} : vector<2048x1024xf32> to vector<2048x128xf32>
    %add3A = vector.broadcast %broadcast_in_dim3A : vector<2048x1xf32> to vector<2048x128xf32>
    %add3A_11 = arith.addf %add3A, %slice3A : vector<2048x128xf32>
    %slice3A_12 = vector.extract_strided_slice %get3A_10 {offsets = [0], sizes = [128], strides = [1]} : vector<1024xf32> to vector<128xf32>
    %broadcast_in_dim3A_13 = vector.shape_cast %slice3A_12 : vector<128xf32> to vector<1x128xf32>
    %add3A_14 = vector.broadcast %broadcast_in_dim3A_13 : vector<1x128xf32> to vector<2048x128xf32>
    %add3A_15 = arith.addf %add3A_11, %add3A_14 : vector<2048x128xf32>
    %broadcast_in_dim3A_16 = arith.constant 0 : i32
    %broadcast_in_dim3A_17 = vector.broadcast %broadcast_in_dim3A_16 : i32 to vector<2048x128xi32>
    %slice3A_18 = vector.extract_strided_slice %dot_general3A_7 {offsets = [0, 128], sizes = [2048, 128], strides = [1, 1]} : vector<2048x1024xf32> to vector<2048x128xf32>
    %add3A_19 = vector.broadcast %broadcast_in_dim3A : vector<2048x1xf32> to vector<2048x128xf32>
    %add3A_20 = arith.addf %add3A_19, %slice3A_18 : vector<2048x128xf32>
    %slice3A_21 = vector.extract_strided_slice %get3A_10 {offsets = [128], sizes = [128], strides = [1]} : vector<1024xf32> to vector<128xf32>
    %broadcast_in_dim3A_22 = vector.shape_cast %slice3A_21 : vector<128xf32> to vector<1x128xf32>
    %add3A_23 = vector.broadcast %broadcast_in_dim3A_22 : vector<1x128xf32> to vector<2048x128xf32>
    %add3A_24 = arith.addf %add3A_20, %add3A_23 : vector<2048x128xf32>
    %lt3A = arith.cmpf olt, %add3A_24, %add3A_15 : vector<2048x128xf32>
    %min3A = arith.minimumf %add3A_15, %add3A_24 : vector<2048x128xf32>
    %jit3A = arith.constant 1 : i32
    %broadcast_in_dim3A_25 = vector.broadcast %jit3A : i32 to vector<2048x128xi32>
    %select_n3A = arith.select %lt3A, %broadcast_in_dim3A_25, %broadcast_in_dim3A_17 : vector<2048x128xi1>, vector<2048x128xi32>
    %slice3A_26 = vector.extract_strided_slice %dot_general3A_7 {offsets = [0, 256], sizes = [2048, 128], strides = [1, 1]} : vector<2048x1024xf32> to vector<2048x128xf32>
    %add3A_27 = vector.broadcast %broadcast_in_dim3A : vector<2048x1xf32> to vector<2048x128xf32>
    %add3A_28 = arith.addf %add3A_27, %slice3A_26 : vector<2048x128xf32>
    %slice3A_29 = vector.extract_strided_slice %get3A_10 {offsets = [256], sizes = [128], strides = [1]} : vector<1024xf32> to vector<128xf32>
    %broadcast_in_dim3A_30 = vector.shape_cast %slice3A_29 : vector<128xf32> to vector<1x128xf32>
    %add3A_31 = vector.broadcast %broadcast_in_dim3A_30 : vector<1x128xf32> to vector<2048x128xf32>
    %add3A_32 = arith.addf %add3A_28, %add3A_31 : vector<2048x128xf32>
    %lt3A_33 = arith.cmpf olt, %add3A_32, %min3A : vector<2048x128xf32>
    %min3A_34 = arith.minimumf %min3A, %add3A_32 : vector<2048x128xf32>
    %jit3A_35 = arith.constant 2 : i32
    %broadcast_in_dim3A_36 = vector.broadcast %jit3A_35 : i32 to vector<2048x128xi32>
    %select_n3A_37 = arith.select %lt3A_33, %broadcast_in_dim3A_36, %select_n3A : vector<2048x128xi1>, vector<2048x128xi32>
    %slice3A_38 = vector.extract_strided_slice %dot_general3A_7 {offsets = [0, 384], sizes = [2048, 128], strides = [1, 1]} : vector<2048x1024xf32> to vector<2048x128xf32>
    %add3A_39 = vector.broadcast %broadcast_in_dim3A : vector<2048x1xf32> to vector<2048x128xf32>
    %add3A_40 = arith.addf %add3A_39, %slice3A_38 : vector<2048x128xf32>
    %slice3A_41 = vector.extract_strided_slice %get3A_10 {offsets = [384], sizes = [128], strides = [1]} : vector<1024xf32> to vector<128xf32>
    %broadcast_in_dim3A_42 = vector.shape_cast %slice3A_41 : vector<128xf32> to vector<1x128xf32>
    %add3A_43 = vector.broadcast %broadcast_in_dim3A_42 : vector<1x128xf32> to vector<2048x128xf32>
    %add3A_44 = arith.addf %add3A_40, %add3A_43 : vector<2048x128xf32>
    %lt3A_45 = arith.cmpf olt, %add3A_44, %min3A_34 : vector<2048x128xf32>
    %min3A_46 = arith.minimumf %min3A_34, %add3A_44 : vector<2048x128xf32>
    %jit3A_47 = arith.constant 3 : i32
    %broadcast_in_dim3A_48 = vector.broadcast %jit3A_47 : i32 to vector<2048x128xi32>
    %select_n3A_49 = arith.select %lt3A_45, %broadcast_in_dim3A_48, %select_n3A_37 : vector<2048x128xi1>, vector<2048x128xi32>
    %slice3A_50 = vector.extract_strided_slice %dot_general3A_7 {offsets = [0, 512], sizes = [2048, 128], strides = [1, 1]} : vector<2048x1024xf32> to vector<2048x128xf32>
    %add3A_51 = vector.broadcast %broadcast_in_dim3A : vector<2048x1xf32> to vector<2048x128xf32>
    %add3A_52 = arith.addf %add3A_51, %slice3A_50 : vector<2048x128xf32>
    %slice3A_53 = vector.extract_strided_slice %get3A_10 {offsets = [512], sizes = [128], strides = [1]} : vector<1024xf32> to vector<128xf32>
    %broadcast_in_dim3A_54 = vector.shape_cast %slice3A_53 : vector<128xf32> to vector<1x128xf32>
    %add3A_55 = vector.broadcast %broadcast_in_dim3A_54 : vector<1x128xf32> to vector<2048x128xf32>
    %add3A_56 = arith.addf %add3A_52, %add3A_55 : vector<2048x128xf32>
    %lt3A_57 = arith.cmpf olt, %add3A_56, %min3A_46 : vector<2048x128xf32>
    %min3A_58 = arith.minimumf %min3A_46, %add3A_56 : vector<2048x128xf32>
    %jit3A_59 = arith.constant 4 : i32
    %broadcast_in_dim3A_60 = vector.broadcast %jit3A_59 : i32 to vector<2048x128xi32>
    %select_n3A_61 = arith.select %lt3A_57, %broadcast_in_dim3A_60, %select_n3A_49 : vector<2048x128xi1>, vector<2048x128xi32>
    %slice3A_62 = vector.extract_strided_slice %dot_general3A_7 {offsets = [0, 640], sizes = [2048, 128], strides = [1, 1]} : vector<2048x1024xf32> to vector<2048x128xf32>
    %add3A_63 = vector.broadcast %broadcast_in_dim3A : vector<2048x1xf32> to vector<2048x128xf32>
    %add3A_64 = arith.addf %add3A_63, %slice3A_62 : vector<2048x128xf32>
    %slice3A_65 = vector.extract_strided_slice %get3A_10 {offsets = [640], sizes = [128], strides = [1]} : vector<1024xf32> to vector<128xf32>
    %broadcast_in_dim3A_66 = vector.shape_cast %slice3A_65 : vector<128xf32> to vector<1x128xf32>
    %add3A_67 = vector.broadcast %broadcast_in_dim3A_66 : vector<1x128xf32> to vector<2048x128xf32>
    %add3A_68 = arith.addf %add3A_64, %add3A_67 : vector<2048x128xf32>
    %lt3A_69 = arith.cmpf olt, %add3A_68, %min3A_58 : vector<2048x128xf32>
    %min3A_70 = arith.minimumf %min3A_58, %add3A_68 : vector<2048x128xf32>
    %jit3A_71 = arith.constant 5 : i32
    %broadcast_in_dim3A_72 = vector.broadcast %jit3A_71 : i32 to vector<2048x128xi32>
    %select_n3A_73 = arith.select %lt3A_69, %broadcast_in_dim3A_72, %select_n3A_61 : vector<2048x128xi1>, vector<2048x128xi32>
    %slice3A_74 = vector.extract_strided_slice %dot_general3A_7 {offsets = [0, 768], sizes = [2048, 128], strides = [1, 1]} : vector<2048x1024xf32> to vector<2048x128xf32>
    %add3A_75 = vector.broadcast %broadcast_in_dim3A : vector<2048x1xf32> to vector<2048x128xf32>
    %add3A_76 = arith.addf %add3A_75, %slice3A_74 : vector<2048x128xf32>
    %slice3A_77 = vector.extract_strided_slice %get3A_10 {offsets = [768], sizes = [128], strides = [1]} : vector<1024xf32> to vector<128xf32>
    %broadcast_in_dim3A_78 = vector.shape_cast %slice3A_77 : vector<128xf32> to vector<1x128xf32>
    %add3A_79 = vector.broadcast %broadcast_in_dim3A_78 : vector<1x128xf32> to vector<2048x128xf32>
    %add3A_80 = arith.addf %add3A_76, %add3A_79 : vector<2048x128xf32>
    %lt3A_81 = arith.cmpf olt, %add3A_80, %min3A_70 : vector<2048x128xf32>
    %min3A_82 = arith.minimumf %min3A_70, %add3A_80 : vector<2048x128xf32>
    %jit3A_83 = arith.constant 6 : i32
    %broadcast_in_dim3A_84 = vector.broadcast %jit3A_83 : i32 to vector<2048x128xi32>
    %select_n3A_85 = arith.select %lt3A_81, %broadcast_in_dim3A_84, %select_n3A_73 : vector<2048x128xi1>, vector<2048x128xi32>
    %slice3A_86 = vector.extract_strided_slice %dot_general3A_7 {offsets = [0, 896], sizes = [2048, 128], strides = [1, 1]} : vector<2048x1024xf32> to vector<2048x128xf32>
    %add3A_87 = vector.broadcast %broadcast_in_dim3A : vector<2048x1xf32> to vector<2048x128xf32>
    %add3A_88 = arith.addf %add3A_87, %slice3A_86 : vector<2048x128xf32>
    %slice3A_89 = vector.extract_strided_slice %get3A_10 {offsets = [896], sizes = [128], strides = [1]} : vector<1024xf32> to vector<128xf32>
    %broadcast_in_dim3A_90 = vector.shape_cast %slice3A_89 : vector<128xf32> to vector<1x128xf32>
    %add3A_91 = vector.broadcast %broadcast_in_dim3A_90 : vector<1x128xf32> to vector<2048x128xf32>
    %add3A_92 = arith.addf %add3A_88, %add3A_91 : vector<2048x128xf32>
    %lt3A_93 = arith.cmpf olt, %add3A_92, %min3A_82 : vector<2048x128xf32>
    %min3A_94 = arith.minimumf %min3A_82, %add3A_92 : vector<2048x128xf32>
    %jit3A_95 = arith.constant 7 : i32
    %broadcast_in_dim3A_96 = vector.broadcast %jit3A_95 : i32 to vector<2048x128xi32>
    %select_n3A_97 = arith.select %lt3A_93, %broadcast_in_dim3A_96, %select_n3A_85 : vector<2048x128xi1>, vector<2048x128xi32>
    %mul3A_98 = arith.constant 128 : i32
    %mul3A_99 = vector.broadcast %mul3A_98 : i32 to vector<2048x128xi32>
    %mul3A_100 = arith.muli %select_n3A_97, %mul3A_99 : vector<2048x128xi32>
    %iota3A = tpu.iota {dimensions = array<i32: 1>} : vector<2048x128xi32>
    %add3A_101 = arith.addi %mul3A_100, %iota3A : vector<2048x128xi32>
    %transpose3A = tpu.transpose %min3A_94, [1, 0] : vector<2048x128xf32> -> vector<128x2048xf32>
    %transpose3A_102 = tpu.transpose %add3A_101, [1, 0] : vector<2048x128xi32> -> vector<128x2048xi32>
    %reduce_min3A = arith.constant dense<0x7F800000> : vector<2048xf32>
    %reduce_min3A_103 = vector.multi_reduction <minimumf>, %transpose3A, %reduce_min3A [0] : vector<128x2048xf32> to vector<2048xf32>
    %broadcast_in_dim3A_104 = vector.shape_cast %reduce_min3A_103 : vector<2048xf32> to vector<1x2048xf32>
    %eq3A_105 = vector.broadcast %broadcast_in_dim3A_104 : vector<1x2048xf32> to vector<128x2048xf32>
    %eq3A_106 = arith.cmpf oeq, %transpose3A, %eq3A_105 : vector<128x2048xf32>
    %jit3A_107 = arith.constant 1024 : i32
    %broadcast_in_dim3A_108 = vector.broadcast %jit3A_107 : i32 to vector<128x2048xi32>
    %select_n3A_109 = arith.select %eq3A_106, %transpose3A_102, %broadcast_in_dim3A_108 : vector<128x2048xi1>, vector<128x2048xi32>
    %reduce_min3A_110 = arith.constant dense<2147483647> : vector<2048xi32>
    %reduce_min3A_111 = vector.multi_reduction <minsi>, %select_n3A_109, %reduce_min3A_110 [0] : vector<128x2048xi32> to vector<2048xi32>
    %swap3A = arith.constant 0 : index
    %swap3A_112 = vector.load %arg5[%swap3A] : memref<2048xi32, #tpu.memory_space<vmem>>, vector<2048xi32>
    tpu.vector_store %arg5[%swap3A], %reduce_min3A_111 {strides = array<i32>} : memref<2048xi32, #tpu.memory_space<vmem>>, vector<2048xi32>,
    %get3A_113 = arith.constant 0 : index
    %get3A_114 = arith.constant 0 : index
    %get3A_115 = memref.load %arg6[%get3A_113, %get3A_114] : memref<1x1xf32, #tpu.memory_space<smem>>
    %max3A = arith.constant 0.000000e+00 : f32
    %max3A_116 = vector.broadcast %max3A : f32 to vector<1x2048xf32>
    %max3A_117 = arith.maximumf %broadcast_in_dim3A_104, %max3A_116 : vector<1x2048xf32>
    %reduce_sum3A_118 = vector.shape_cast %max3A_117 : vector<1x2048xf32> to vector<1x1x2048xf32>
    %reduce_sum3A_119 = arith.constant dense<0.000000e+00> : vector<1xf32>
    %reduce_sum3A_120 = vector.multi_reduction <add>, %reduce_sum3A_118, %reduce_sum3A_119 [1, 2] : vector<1x1x2048xf32> to vector<1xf32>
    %reduce_sum3A_121 = vector.shape_cast %reduce_sum3A_120 : vector<1xf32> to vector<1x1x1xf32>
    %reduce_sum3A_122 = vector.extract %reduce_sum3A_121[0, 0, 0] : f32 from vector<1x1x1xf32>
    %add3A_123 = arith.addf %get3A_115, %reduce_sum3A_122 : f32
    %swap3A_124 = arith.constant 0 : index
    %swap3A_125 = arith.constant 0 : index
    %swap3A_126 = memref.load %arg6[%swap3A_124, %swap3A_125] : memref<1x1xf32, #tpu.memory_space<smem>>
    memref.store %add3A_123, %arg6[%swap3A_124, %swap3A_125] : memref<1x1xf32, #tpu.memory_space<smem>>
    %broadcast_in_dim3A_127 = vector.shape_cast %reduce_min3A_111 : vector<2048xi32> to vector<2048x1xi32>
    %iota3A_128 = tpu.iota {dimensions = array<i32: 1>} : vector<2048x1024xi32>
    %eq3A_129 = vector.broadcast %broadcast_in_dim3A_127 : vector<2048x1xi32> to vector<2048x1024xi32>
    %eq3A_130 = arith.cmpi eq, %iota3A_128, %eq3A_129 : vector<2048x1024xi32>
    %jit3A_131 = arith.constant 1.000000e+00 : f32
    %jit3A_132 = arith.constant 0.000000e+00 : f32
    %broadcast_in_dim3A_133 = vector.broadcast %jit3A_131 : f32 to vector<2048x1024xf32>
    %broadcast_in_dim3A_134 = vector.broadcast %jit3A_132 : f32 to vector<2048x1024xf32>
    %select_n3A_135 = arith.select %eq3A_130, %broadcast_in_dim3A_133, %broadcast_in_dim3A_134 : vector<2048x1024xi1>, vector<2048x1024xf32>
    %dot_general3A_136 = arith.constant dense<0.000000e+00> : vector<2048x256xf32>
    %dot_general3A_137 = tpu.matmul %select_n3A_135, %get3A_6, %dot_general3A_136 {dimension_numbers = #tpu.dot_dimension_numbers<[1], [0], [0], [1], [0, 0, 1, 1], [], []>, transpose_lhs_hint = false} : vector<2048x1024xf32>, vector<1024x256xf32>, vector<2048x256xf32> -> vector<2048x256xf32>
    %mul3A_138 = arith.constant -5.000000e-01 : f32
    %mul3A_139 = vector.broadcast %mul3A_138 : f32 to vector<2048x256xf32>
    %mul3A_140 = arith.mulf %mul3A_139, %dot_general3A_137 : vector<2048x256xf32>
    %swap3A_141 = arith.constant 0 : index
    %swap3A_142 = arith.constant 0 : index
    %swap3A_143 = vector.load %arg7[%swap3A_141, %swap3A_142] : memref<2048x256xf32, #tpu.memory_space<vmem>>, vector<2048x256xf32>
    tpu.vector_store %arg7[%swap3A_141, %swap3A_142], %mul3A_140 {strides = array<i32>} : memref<2048x256xf32, #tpu.memory_space<vmem>>, vector<2048x256xf32>,
    return
  }
  func.func @transform_0(%arg0: i32) -> (i32, i32) {
    %add3A = arith.constant 4 : i32
    %add3A_0 = arith.addi %add3A, %arg0 : i32
    %c0_i32 = arith.constant 0 : i32
    %c0_i32_1 = arith.constant 0 : i32
    return %add3A_0, %c0_i32 : i32, i32
  }
  func.func @transform_1(%arg0: i32) -> (i32, i32) {
    %c0_i32 = arith.constant 0 : i32
    %c0_i32_0 = arith.constant 0 : i32
    %c0_i32_1 = arith.constant 0 : i32
    return %c0_i32, %c0_i32_0 : i32, i32
  }
  func.func @transform_2(%arg0: i32) -> i32 {
    %c0_i32 = arith.constant 0 : i32
    %c0_i32_0 = arith.constant 0 : i32
    return %c0_i32 : i32
  }
  func.func @transform_4(%arg0: i32) -> i32 {
    %c0_i32 = arith.constant 0 : i32
    return %arg0 : i32
  }
  func.func @transform_5(%arg0: i32) -> (i32, i32) {
    %c0_i32 = arith.constant 0 : i32
    %c0_i32_0 = arith.constant 0 : i32
    %c0_i32_1 = arith.constant 0 : i32
    return %c0_i32, %c0_i32_0 : i32, i32
  }
  func.func @transform_6(%arg0: i32) -> (i32, i32) {
    %add3A = arith.constant 4 : i32
    %add3A_0 = arith.addi %add3A, %arg0 : i32
    %c0_i32 = arith.constant 0 : i32
    %c0_i32_1 = arith.constant 0 : i32
    return %add3A_0, %c0_i32 : i32, i32
  }
}

module attributes {stable_mosaic.version = 14 : i64} {
  func.func @body(%arg0: i32, %arg1: memref<2048x256xf32, #tpu.memory_space<vmem>>, %arg2: memref<1024x256xf32, #tpu.memory_space<vmem>>, %arg3: memref<1024xf32, #tpu.memory_space<vmem>>, %arg4: memref<16384x256xf32, #tpu.memory_space<any>>, %arg5: memref<2048xi32, #tpu.memory_space<vmem>>, %arg6: memref<1x1xf32, #tpu.memory_space<smem>>, %arg7: memref<2048x256xf32, #tpu.memory_space<vmem>>) attributes {dimension_semantics = [#tpu.dimension_semantics<arbitrary>], iteration_bounds = array<i64: 2>, scalar_prefetch = 0 : i64, scratch_operands = 0 : i64, tpu.core_type = #tpu.core_type<tc>, window_params = [{transform_indices = @transform_0, window_bounds = array<i64: 2048, 256>}, {pipeline_mode = #tpu.pipeline_mode<synchronous>, transform_indices = @transform_1, window_bounds = array<i64: 1024, 256>}, {pipeline_mode = #tpu.pipeline_mode<synchronous>, transform_indices = @transform_2, window_bounds = array<i64: 1024>}, {}, {transform_indices = @transform_4, window_bounds = array<i64: 2048>}, {transform_indices = @transform_5, window_bounds = array<i64: 1, 1>}, {transform_indices = @transform_6, window_bounds = array<i64: 2048, 256>}]} {
    %eq3A = arith.constant 0 : i32
    %eq3A_0 = arith.cmpi eq, %arg0, %eq3A : i32
    %convert_element_type3A = arith.extui %eq3A_0 : i1 to i32
    %cond3A = arith.constant 0 : i32
    %cond3A_1 = arith.cmpi ne, %convert_element_type3A, %cond3A : i32
    scf.if %cond3A_1 {
      %swap3A_144 = arith.constant 0.000000e+00 : f32
      %swap3A_145 = arith.constant 0 : index
      %swap3A_146 = arith.constant 0 : index
      %swap3A_147 = memref.load %arg6[%swap3A_145, %swap3A_146] : memref<1x1xf32, #tpu.memory_space<smem>>
      memref.store %swap3A_144, %arg6[%swap3A_145, %swap3A_146] : memref<1x1xf32, #tpu.memory_space<smem>>
    } else {
    }
    %get3A = arith.constant 0 : index
    %get3A_2 = arith.constant 0 : index
    %get3A_3 = vector.load %arg1[%get3A, %get3A_2] : memref<2048x256xf32, #tpu.memory_space<vmem>>, vector<2048x256xf32>
    %get3A_4 = arith.constant 0 : index
    %get3A_5 = arith.constant 0 : index
    %get3A_6 = vector.load %arg2[%get3A_4, %get3A_5] : memref<1024x256xf32, #tpu.memory_space<vmem>>, vector<1024x256xf32>
    %dot_general3A = arith.constant dense<0.000000e+00> : vector<2048x1024xf32>
    %dot_general3A_7 = tpu.matmul %get3A_3, %get3A_6, %dot_general3A {dimension_numbers = #tpu.dot_dimension_numbers<[1], [1], [0], [0], [0, 0, 1, 0], [], []>, transpose_lhs_hint = false} : vector<2048x256xf32>, vector<1024x256xf32>, vector<2048x1024xf32> -> vector<2048x1024xf32>
    %mul3A = arith.mulf %get3A_3, %get3A_3 : vector<2048x256xf32>
    %reduce_sum3A = arith.constant dense<0.000000e+00> : vector<2048xf32>
    %reduce_sum3A_8 = vector.multi_reduction <add>, %mul3A, %reduce_sum3A [1] : vector<2048x256xf32> to vector<2048xf32>
    %broadcast_in_dim3A = vector.shape_cast %reduce_sum3A_8 : vector<2048xf32> to vector<2048x1xf32>
    %get3A_9 = arith.constant 0 : index
    %get3A_10 = vector.load %arg3[%get3A_9] : memref<1024xf32, #tpu.memory_space<vmem>>, vector<1024xf32>
    %slice3A = vector.extract_strided_slice %dot_general3A_7 {offsets = [0, 0], sizes = [2048, 128], strides = [1, 1]} : vector<2048x1024xf32> to vector<2048x128xf32>
    %add3A = vector.broadcast %broadcast_in_dim3A : vector<2048x1xf32> to vector<2048x128xf32>
    %add3A_11 = arith.addf %add3A, %slice3A : vector<2048x128xf32>
    %slice3A_12 = vector.extract_strided_slice %get3A_10 {offsets = [0], sizes = [128], strides = [1]} : vector<1024xf32> to vector<128xf32>
    %broadcast_in_dim3A_13 = vector.shape_cast %slice3A_12 : vector<128xf32> to vector<1x128xf32>
    %add3A_14 = vector.broadcast %broadcast_in_dim3A_13 : vector<1x128xf32> to vector<2048x128xf32>
    %add3A_15 = arith.addf %add3A_11, %add3A_14 : vector<2048x128xf32>
    %broadcast_in_dim3A_16 = arith.constant 0 : i32
    %broadcast_in_dim3A_17 = vector.broadcast %broadcast_in_dim3A_16 : i32 to vector<2048x128xi32>
    %slice3A_18 = vector.extract_strided_slice %dot_general3A_7 {offsets = [0, 128], sizes = [2048, 128], strides = [1, 1]} : vector<2048x1024xf32> to vector<2048x128xf32>
    %add3A_19 = vector.broadcast %broadcast_in_dim3A : vector<2048x1xf32> to vector<2048x128xf32>
    %add3A_20 = arith.addf %add3A_19, %slice3A_18 : vector<2048x128xf32>
    %slice3A_21 = vector.extract_strided_slice %get3A_10 {offsets = [128], sizes = [128], strides = [1]} : vector<1024xf32> to vector<128xf32>
    %broadcast_in_dim3A_22 = vector.shape_cast %slice3A_21 : vector<128xf32> to vector<1x128xf32>
    %add3A_23 = vector.broadcast %broadcast_in_dim3A_22 : vector<1x128xf32> to vector<2048x128xf32>
    %add3A_24 = arith.addf %add3A_20, %add3A_23 : vector<2048x128xf32>
    %lt3A = arith.cmpf olt, %add3A_24, %add3A_15 : vector<2048x128xf32>
    %min3A = arith.minimumf %add3A_15, %add3A_24 : vector<2048x128xf32>
    %jit3A = arith.constant 1 : i32
    %broadcast_in_dim3A_25 = vector.broadcast %jit3A : i32 to vector<2048x128xi32>
    %select_n3A = arith.select %lt3A, %broadcast_in_dim3A_25, %broadcast_in_dim3A_17 : vector<2048x128xi1>, vector<2048x128xi32>
    %slice3A_26 = vector.extract_strided_slice %dot_general3A_7 {offsets = [0, 256], sizes = [2048, 128], strides = [1, 1]} : vector<2048x1024xf32> to vector<2048x128xf32>
    %add3A_27 = vector.broadcast %broadcast_in_dim3A : vector<2048x1xf32> to vector<2048x128xf32>
    %add3A_28 = arith.addf %add3A_27, %slice3A_26 : vector<2048x128xf32>
    %slice3A_29 = vector.extract_strided_slice %get3A_10 {offsets = [256], sizes = [128], strides = [1]} : vector<1024xf32> to vector<128xf32>
    %broadcast_in_dim3A_30 = vector.shape_cast %slice3A_29 : vector<128xf32> to vector<1x128xf32>
    %add3A_31 = vector.broadcast %broadcast_in_dim3A_30 : vector<1x128xf32> to vector<2048x128xf32>
    %add3A_32 = arith.addf %add3A_28, %add3A_31 : vector<2048x128xf32>
    %lt3A_33 = arith.cmpf olt, %add3A_32, %min3A : vector<2048x128xf32>
    %min3A_34 = arith.minimumf %min3A, %add3A_32 : vector<2048x128xf32>
    %jit3A_35 = arith.constant 2 : i32
    %broadcast_in_dim3A_36 = vector.broadcast %jit3A_35 : i32 to vector<2048x128xi32>
    %select_n3A_37 = arith.select %lt3A_33, %broadcast_in_dim3A_36, %select_n3A : vector<2048x128xi1>, vector<2048x128xi32>
    %slice3A_38 = vector.extract_strided_slice %dot_general3A_7 {offsets = [0, 384], sizes = [2048, 128], strides = [1, 1]} : vector<2048x1024xf32> to vector<2048x128xf32>
    %add3A_39 = vector.broadcast %broadcast_in_dim3A : vector<2048x1xf32> to vector<2048x128xf32>
    %add3A_40 = arith.addf %add3A_39, %slice3A_38 : vector<2048x128xf32>
    %slice3A_41 = vector.extract_strided_slice %get3A_10 {offsets = [384], sizes = [128], strides = [1]} : vector<1024xf32> to vector<128xf32>
    %broadcast_in_dim3A_42 = vector.shape_cast %slice3A_41 : vector<128xf32> to vector<1x128xf32>
    %add3A_43 = vector.broadcast %broadcast_in_dim3A_42 : vector<1x128xf32> to vector<2048x128xf32>
    %add3A_44 = arith.addf %add3A_40, %add3A_43 : vector<2048x128xf32>
    %lt3A_45 = arith.cmpf olt, %add3A_44, %min3A_34 : vector<2048x128xf32>
    %min3A_46 = arith.minimumf %min3A_34, %add3A_44 : vector<2048x128xf32>
    %jit3A_47 = arith.constant 3 : i32
    %broadcast_in_dim3A_48 = vector.broadcast %jit3A_47 : i32 to vector<2048x128xi32>
    %select_n3A_49 = arith.select %lt3A_45, %broadcast_in_dim3A_48, %select_n3A_37 : vector<2048x128xi1>, vector<2048x128xi32>
    %slice3A_50 = vector.extract_strided_slice %dot_general3A_7 {offsets = [0, 512], sizes = [2048, 128], strides = [1, 1]} : vector<2048x1024xf32> to vector<2048x128xf32>
    %add3A_51 = vector.broadcast %broadcast_in_dim3A : vector<2048x1xf32> to vector<2048x128xf32>
    %add3A_52 = arith.addf %add3A_51, %slice3A_50 : vector<2048x128xf32>
    %slice3A_53 = vector.extract_strided_slice %get3A_10 {offsets = [512], sizes = [128], strides = [1]} : vector<1024xf32> to vector<128xf32>
    %broadcast_in_dim3A_54 = vector.shape_cast %slice3A_53 : vector<128xf32> to vector<1x128xf32>
    %add3A_55 = vector.broadcast %broadcast_in_dim3A_54 : vector<1x128xf32> to vector<2048x128xf32>
    %add3A_56 = arith.addf %add3A_52, %add3A_55 : vector<2048x128xf32>
    %lt3A_57 = arith.cmpf olt, %add3A_56, %min3A_46 : vector<2048x128xf32>
    %min3A_58 = arith.minimumf %min3A_46, %add3A_56 : vector<2048x128xf32>
    %jit3A_59 = arith.constant 4 : i32
    %broadcast_in_dim3A_60 = vector.broadcast %jit3A_59 : i32 to vector<2048x128xi32>
    %select_n3A_61 = arith.select %lt3A_57, %broadcast_in_dim3A_60, %select_n3A_49 : vector<2048x128xi1>, vector<2048x128xi32>
    %slice3A_62 = vector.extract_strided_slice %dot_general3A_7 {offsets = [0, 640], sizes = [2048, 128], strides = [1, 1]} : vector<2048x1024xf32> to vector<2048x128xf32>
    %add3A_63 = vector.broadcast %broadcast_in_dim3A : vector<2048x1xf32> to vector<2048x128xf32>
    %add3A_64 = arith.addf %add3A_63, %slice3A_62 : vector<2048x128xf32>
    %slice3A_65 = vector.extract_strided_slice %get3A_10 {offsets = [640], sizes = [128], strides = [1]} : vector<1024xf32> to vector<128xf32>
    %broadcast_in_dim3A_66 = vector.shape_cast %slice3A_65 : vector<128xf32> to vector<1x128xf32>
    %add3A_67 = vector.broadcast %broadcast_in_dim3A_66 : vector<1x128xf32> to vector<2048x128xf32>
    %add3A_68 = arith.addf %add3A_64, %add3A_67 : vector<2048x128xf32>
    %lt3A_69 = arith.cmpf olt, %add3A_68, %min3A_58 : vector<2048x128xf32>
    %min3A_70 = arith.minimumf %min3A_58, %add3A_68 : vector<2048x128xf32>
    %jit3A_71 = arith.constant 5 : i32
    %broadcast_in_dim3A_72 = vector.broadcast %jit3A_71 : i32 to vector<2048x128xi32>
    %select_n3A_73 = arith.select %lt3A_69, %broadcast_in_dim3A_72, %select_n3A_61 : vector<2048x128xi1>, vector<2048x128xi32>
    %slice3A_74 = vector.extract_strided_slice %dot_general3A_7 {offsets = [0, 768], sizes = [2048, 128], strides = [1, 1]} : vector<2048x1024xf32> to vector<2048x128xf32>
    %add3A_75 = vector.broadcast %broadcast_in_dim3A : vector<2048x1xf32> to vector<2048x128xf32>
    %add3A_76 = arith.addf %add3A_75, %slice3A_74 : vector<2048x128xf32>
    %slice3A_77 = vector.extract_strided_slice %get3A_10 {offsets = [768], sizes = [128], strides = [1]} : vector<1024xf32> to vector<128xf32>
    %broadcast_in_dim3A_78 = vector.shape_cast %slice3A_77 : vector<128xf32> to vector<1x128xf32>
    %add3A_79 = vector.broadcast %broadcast_in_dim3A_78 : vector<1x128xf32> to vector<2048x128xf32>
    %add3A_80 = arith.addf %add3A_76, %add3A_79 : vector<2048x128xf32>
    %lt3A_81 = arith.cmpf olt, %add3A_80, %min3A_70 : vector<2048x128xf32>
    %min3A_82 = arith.minimumf %min3A_70, %add3A_80 : vector<2048x128xf32>
    %jit3A_83 = arith.constant 6 : i32
    %broadcast_in_dim3A_84 = vector.broadcast %jit3A_83 : i32 to vector<2048x128xi32>
    %select_n3A_85 = arith.select %lt3A_81, %broadcast_in_dim3A_84, %select_n3A_73 : vector<2048x128xi1>, vector<2048x128xi32>
    %slice3A_86 = vector.extract_strided_slice %dot_general3A_7 {offsets = [0, 896], sizes = [2048, 128], strides = [1, 1]} : vector<2048x1024xf32> to vector<2048x128xf32>
    %add3A_87 = vector.broadcast %broadcast_in_dim3A : vector<2048x1xf32> to vector<2048x128xf32>
    %add3A_88 = arith.addf %add3A_87, %slice3A_86 : vector<2048x128xf32>
    %slice3A_89 = vector.extract_strided_slice %get3A_10 {offsets = [896], sizes = [128], strides = [1]} : vector<1024xf32> to vector<128xf32>
    %broadcast_in_dim3A_90 = vector.shape_cast %slice3A_89 : vector<128xf32> to vector<1x128xf32>
    %add3A_91 = vector.broadcast %broadcast_in_dim3A_90 : vector<1x128xf32> to vector<2048x128xf32>
    %add3A_92 = arith.addf %add3A_88, %add3A_91 : vector<2048x128xf32>
    %lt3A_93 = arith.cmpf olt, %add3A_92, %min3A_82 : vector<2048x128xf32>
    %min3A_94 = arith.minimumf %min3A_82, %add3A_92 : vector<2048x128xf32>
    %jit3A_95 = arith.constant 7 : i32
    %broadcast_in_dim3A_96 = vector.broadcast %jit3A_95 : i32 to vector<2048x128xi32>
    %select_n3A_97 = arith.select %lt3A_93, %broadcast_in_dim3A_96, %select_n3A_85 : vector<2048x128xi1>, vector<2048x128xi32>
    %mul3A_98 = arith.constant 128 : i32
    %mul3A_99 = vector.broadcast %mul3A_98 : i32 to vector<2048x128xi32>
    %mul3A_100 = arith.muli %select_n3A_97, %mul3A_99 : vector<2048x128xi32>
    %iota3A = tpu.iota {dimensions = array<i32: 1>} : vector<2048x128xi32>
    %add3A_101 = arith.addi %mul3A_100, %iota3A : vector<2048x128xi32>
    %transpose3A = tpu.transpose %min3A_94, [1, 0] : vector<2048x128xf32> -> vector<128x2048xf32>
    %transpose3A_102 = tpu.transpose %add3A_101, [1, 0] : vector<2048x128xi32> -> vector<128x2048xi32>
    %reduce_min3A = arith.constant dense<0x7F800000> : vector<2048xf32>
    %reduce_min3A_103 = vector.multi_reduction <minimumf>, %transpose3A, %reduce_min3A [0] : vector<128x2048xf32> to vector<2048xf32>
    %broadcast_in_dim3A_104 = vector.shape_cast %reduce_min3A_103 : vector<2048xf32> to vector<1x2048xf32>
    %eq3A_105 = vector.broadcast %broadcast_in_dim3A_104 : vector<1x2048xf32> to vector<128x2048xf32>
    %eq3A_106 = arith.cmpf oeq, %transpose3A, %eq3A_105 : vector<128x2048xf32>
    %jit3A_107 = arith.constant 1024 : i32
    %broadcast_in_dim3A_108 = vector.broadcast %jit3A_107 : i32 to vector<128x2048xi32>
    %select_n3A_109 = arith.select %eq3A_106, %transpose3A_102, %broadcast_in_dim3A_108 : vector<128x2048xi1>, vector<128x2048xi32>
    %reduce_min3A_110 = arith.constant dense<2147483647> : vector<2048xi32>
    %reduce_min3A_111 = vector.multi_reduction <minsi>, %select_n3A_109, %reduce_min3A_110 [0] : vector<128x2048xi32> to vector<2048xi32>
    %swap3A = arith.constant 0 : index
    %swap3A_112 = vector.load %arg5[%swap3A] : memref<2048xi32, #tpu.memory_space<vmem>>, vector<2048xi32>
    tpu.vector_store %arg5[%swap3A], %reduce_min3A_111 {strides = array<i32>} : memref<2048xi32, #tpu.memory_space<vmem>>, vector<2048xi32>,
    %get3A_113 = arith.constant 0 : index
    %get3A_114 = arith.constant 0 : index
    %get3A_115 = memref.load %arg6[%get3A_113, %get3A_114] : memref<1x1xf32, #tpu.memory_space<smem>>
    %max3A = arith.constant 0.000000e+00 : f32
    %max3A_116 = vector.broadcast %max3A : f32 to vector<1x2048xf32>
    %max3A_117 = arith.maximumf %broadcast_in_dim3A_104, %max3A_116 : vector<1x2048xf32>
    %reduce_sum3A_118 = vector.shape_cast %max3A_117 : vector<1x2048xf32> to vector<1x1x2048xf32>
    %reduce_sum3A_119 = arith.constant dense<0.000000e+00> : vector<1xf32>
    %reduce_sum3A_120 = vector.multi_reduction <add>, %reduce_sum3A_118, %reduce_sum3A_119 [1, 2] : vector<1x1x2048xf32> to vector<1xf32>
    %reduce_sum3A_121 = vector.shape_cast %reduce_sum3A_120 : vector<1xf32> to vector<1x1x1xf32>
    %reduce_sum3A_122 = vector.extract %reduce_sum3A_121[0, 0, 0] : f32 from vector<1x1x1xf32>
    %add3A_123 = arith.addf %get3A_115, %reduce_sum3A_122 : f32
    %swap3A_124 = arith.constant 0 : index
    %swap3A_125 = arith.constant 0 : index
    %swap3A_126 = memref.load %arg6[%swap3A_124, %swap3A_125] : memref<1x1xf32, #tpu.memory_space<smem>>
    memref.store %add3A_123, %arg6[%swap3A_124, %swap3A_125] : memref<1x1xf32, #tpu.memory_space<smem>>
    %broadcast_in_dim3A_127 = vector.shape_cast %reduce_min3A_111 : vector<2048xi32> to vector<2048x1xi32>
    %iota3A_128 = tpu.iota {dimensions = array<i32: 1>} : vector<2048x1024xi32>
    %eq3A_129 = vector.broadcast %broadcast_in_dim3A_127 : vector<2048x1xi32> to vector<2048x1024xi32>
    %eq3A_130 = arith.cmpi eq, %iota3A_128, %eq3A_129 : vector<2048x1024xi32>
    %jit3A_131 = arith.constant 1.000000e+00 : f32
    %jit3A_132 = arith.constant 0.000000e+00 : f32
    %broadcast_in_dim3A_133 = vector.broadcast %jit3A_131 : f32 to vector<2048x1024xf32>
    %broadcast_in_dim3A_134 = vector.broadcast %jit3A_132 : f32 to vector<2048x1024xf32>
    %select_n3A_135 = arith.select %eq3A_130, %broadcast_in_dim3A_133, %broadcast_in_dim3A_134 : vector<2048x1024xi1>, vector<2048x1024xf32>
    %dot_general3A_136 = arith.constant dense<0.000000e+00> : vector<2048x256xf32>
    %dot_general3A_137 = tpu.matmul %select_n3A_135, %get3A_6, %dot_general3A_136 {dimension_numbers = #tpu.dot_dimension_numbers<[1], [0], [0], [1], [0, 0, 1, 1], [], []>, transpose_lhs_hint = false} : vector<2048x1024xf32>, vector<1024x256xf32>, vector<2048x256xf32> -> vector<2048x256xf32>
    %mul3A_138 = arith.constant -5.000000e-01 : f32
    %mul3A_139 = vector.broadcast %mul3A_138 : f32 to vector<2048x256xf32>
    %mul3A_140 = arith.mulf %mul3A_139, %dot_general3A_137 : vector<2048x256xf32>
    %swap3A_141 = arith.constant 0 : index
    %swap3A_142 = arith.constant 0 : index
    %swap3A_143 = vector.load %arg7[%swap3A_141, %swap3A_142] : memref<2048x256xf32, #tpu.memory_space<vmem>>, vector<2048x256xf32>
    tpu.vector_store %arg7[%swap3A_141, %swap3A_142], %mul3A_140 {strides = array<i32>} : memref<2048x256xf32, #tpu.memory_space<vmem>>, vector<2048x256xf32>,
    return
  }
  func.func @transform_0(%arg0: i32) -> (i32, i32) {
    %add3A = arith.constant 6 : i32
    %add3A_0 = arith.addi %add3A, %arg0 : i32
    %c0_i32 = arith.constant 0 : i32
    %c0_i32_1 = arith.constant 0 : i32
    return %add3A_0, %c0_i32 : i32, i32
  }
  func.func @transform_1(%arg0: i32) -> (i32, i32) {
    %c0_i32 = arith.constant 0 : i32
    %c0_i32_0 = arith.constant 0 : i32
    %c0_i32_1 = arith.constant 0 : i32
    return %c0_i32, %c0_i32_0 : i32, i32
  }
  func.func @transform_2(%arg0: i32) -> i32 {
    %c0_i32 = arith.constant 0 : i32
    %c0_i32_0 = arith.constant 0 : i32
    return %c0_i32 : i32
  }
  func.func @transform_4(%arg0: i32) -> i32 {
    %c0_i32 = arith.constant 0 : i32
    return %arg0 : i32
  }
  func.func @transform_5(%arg0: i32) -> (i32, i32) {
    %c0_i32 = arith.constant 0 : i32
    %c0_i32_0 = arith.constant 0 : i32
    %c0_i32_1 = arith.constant 0 : i32
    return %c0_i32, %c0_i32_0 : i32, i32
  }
  func.func @transform_6(%arg0: i32) -> (i32, i32) {
    %add3A = arith.constant 6 : i32
    %add3A_0 = arith.addi %add3A, %arg0 : i32
    %c0_i32 = arith.constant 0 : i32
    %c0_i32_1 = arith.constant 0 : i32
    return %add3A_0, %c0_i32 : i32, i32
  }
}

</mosaic_0001>

<sc_bundles>
// kernel: kernel.11.cloned.1.call-start
scs
__scs_entry_jumppad:
0x0: {  	(pc) =	sbr.rel $0x88, $3  }
0x1: {  	(tag) =	ssettag $0x0;
	lr =	simm.s32 $0x1  }
0x2: {  	[smem:$0x3F9E] =	sst lr;
	_ =	strace $0xD0000000  }
0x3: {  	_ = 	snop  }
0x4: {  	_ = 	snop  }
0x5: {  	_ = 	snop  }
0x6: {  	_ = 	snop  }
0x7: {  	_ = 	snop  }
__scs_overlays_trampoline_lowered:
0x8: {  	[smem:$0x3FAD] =	sst s0  }
0x9: {  	[smem:$0x3FAE] =	sst s1  }
0xa: {  	[smem:$0x3FAF] =	sst s2  }
0xb: {  	[smem:$0x3FB0] =	sst s3  }
0xc: {  	[smem:$0x3FB1] =	sst s4  }
0xd: {  	[smem:$0x3FB2] =	sst s5  }
0xe: {  	[smem:$0x3FB3] =	sst s6  }
0xf: {  	[smem:$0x3FB4] =	sst s7  }
0x10: {  	[smem:$0x3FB5] =	sst s8  }
0x11: {  	[smem:$0x3FB6] =	sst s9;
	s0 =	simm.s32 @!p0 $0x0  }
0x12: {  	s1 =	sld [smem:$0x3F9C];
	s0 =	simm.s32 @p0 $0x1  }
0x13: {  	[smem:$0x3FB7] =	sst s0;
	s0 =	simm.s32 @!p1 $0x0  }
0x14: {  	s2 =	sld [smem:$0x3F9B];
	s0 =	simm.s32 @p1 $0x1  }
0x15: {  	[smem:$0x3FB8] =	sst s0;
	s0 =	simm.s32 @!p2 $0x0  }
0x16: {  	s3 =	sld [smem:$0x3FDB];
	s0 =	simm.s32 @p2 $0x1  }
0x17: {  	s4 =	simm.s32 $0x1BF5;
	[smem:$0x3FBA] =	sst s0  }
0x18: {  	s0 =	sld [smem:$0x3F9D];
	_ =	swait.ge [sflag:s4], $0x0  }
0x19: {  	s7 =	sld [smem:$0x3F9E]  }
0x1a: {  	s8 =	sadd.s32 $0xFFFFE003, lr  }
0x1b: {  	s9 =	sadd.s32 $0xFFFFFEF7, lr;
	s5 =	simm.s32 $0xFFFFFFFF;
	p2 =	slt.u32 s8, $0xFFFFF086  }
0x1c: {  	p1 =	slt.u32 s9, $0xF7A;
	s5 =	simm.s32 @!p2 $0x0  }
0x1d: {  	s5 =	simm.s32 @p1 $0x1;
	p0 =	seq.s32 s7, s2  }
0x1e: {  	s7 =	smul.u32 @!p0 $0xF7A, s2;
	p2 =	seq.s32 @!p0 s5, $0x0  }
0x1f: {  	s9 =	smul.u32 $0xF7A, s1;
	s8 =	simm.s32 @!p0 $0x1BF5;
	p2 =	por !p2, p0  }
0x20: {  	[sflag:s8] =	ssyncset.s32 @!p0 $0xFFFFF086;
	s6 =	sadd.s32 @!p0 s3, s7;
	s7 =	simm.s32 @!p0 $0x108  }
0x21: {  	s3 =	sadd.s32 s3, s9;
	s6 =	sadd.s32 @!p0 $0x88, s6;
	s7 =	simm.s32 @p2 $0x1082  }
0x22: {  	[simem:s7], [sflag:s8] =	dma.local @!p0 [hbm:s6], $0xF7A  }
0x23: {  	s9 =	sor.u32 $0xD0000000, s2;
	s6 =	simm.s32 $0x108;
	_ =	swait.ge @!p0 [sflag:s8], $0x0  }
0x24: {  	s3 =	sadd.s32 $0x88, s3;
	s6 =	simm.s32 @!p1 $0x1082;
	[sflag:s4] =	ssyncset.s32 $0xFFFFF086  }
0x25: {  	[simem:s6], [sflag:s4] =	dma.local [hbm:s3], $0xF7A  }
0x26: {  	[smem:$0x3F9E] =	sst s1;
	(tag) =	ssettag s2;
	_ =	strace s9  }
0x27: {  	s1 =	sld [smem:$0x3FAE]  }
0x28: {  	s2 =	sld [smem:$0x3FAF]  }
0x29: {  	s4 =	sld [smem:$0x3FB1]  }
0x2a: {  	p0 =	seq.s32 s5, $0x0;
	s5 =	sld [smem:$0x3FB2]  }
0x2b: {  	s6 =	sld [smem:$0x3FB3]  }
0x2c: {  	s7 =	sld [smem:$0x3FB4]  }
0x2d: {  	s3 =	simm.s32 $0x108;
	s8 =	sld [smem:$0x3FB5]  }
0x2e: {  	s3 =	simm.s32 @!p0 $0x1082;
	s9 =	sld [smem:$0x3FB6]  }
0x2f: {  	lr =	sadd.s32 s0, s3;
	s0 =	sld [smem:$0x3FAD]  }
0x30: {  	s3 =	sld [smem:$0x3FB0]  }
0x31: {  	[smem:$0x3FB9] =	sst s10  }
0x32: {  	s10 =	sld [smem:$0x3FB7];
	_ =	sdelay $0x3  }
0x33: {  	p0 =	seq.s32 s10, $0x1;
	s10 =	sld [smem:$0x3FB9];
	_ =	sdelay $0x3  }
0x34: {  	[smem:$0x3FB9] =	sst s10  }
0x35: {  	s10 =	sld [smem:$0x3FB8];
	_ =	sdelay $0x3  }
0x36: {  	p1 =	seq.s32 s10, $0x1;
	s10 =	sld [smem:$0x3FB9];
	_ =	sdelay $0x3  }
0x37: {  	[smem:$0x3FB9] =	sst s10  }
0x38: {  	s10 =	sld [smem:$0x3FBA]  }
0x39: {  	_ = 	snop;
	(pc) =	sbr.ind lr, $3  }
0x3a: {  	_ = 	snop  }
0x3b: {  	_ = 	snop  }
0x3c: {  	p2 =	seq.s32 s10, $0x1;
	s10 =	sld [smem:$0x3FB9]  }
0x3d: {  	_ =	shalt  }
0x3e: {  	_ =	shalt  }
0x3f: {  	_ =	shalt  }
0x40: {  	_ =	shalt  }
0x41: {  	_ =	shalt  }
0x42: {  	_ =	shalt  }
0x43: {  	_ =	shalt  }
0x44: {  	_ =	shalt  }
0x45: {  	_ =	shalt  }
0x46: {  	_ =	shalt  }
0x47: {  	_ =	shalt  }
0x48: {  	_ =	shalt  }
0x49: {  	_ =	shalt  }
0x4a: {  	_ =	shalt  }
0x4b: {  	_ =	shalt  }
0x4c: {  	_ =	shalt  }
0x4d: {  	_ =	shalt  }
0x4e: {  	_ =	shalt  }
0x4f: {  	_ =	shalt  }
0x50: {  	_ =	shalt  }
0x51: {  	_ =	shalt  }
0x52: {  	_ =	shalt  }
0x53: {  	_ =	shalt  }
0x54: {  	_ =	shalt  }
0x55: {  	_ =	shalt  }
0x56: {  	_ =	shalt  }
0x57: {  	_ =	shalt  }
0x58: {  	_ =	shalt  }
0x59: {  	_ =	shalt  }
0x5a: {  	_ =	shalt  }
0x5b: {  	_ =	shalt  }
0x5c: {  	_ =	shalt  }
0x5d: {  	_ =	shalt  }
0x5e: {  	_ =	shalt  }
0x5f: {  	_ =	shalt  }
0x60: {  	_ =	shalt  }
0x61: {  	_ =	shalt  }
0x62: {  	_ =	shalt  }
0x63: {  	_ =	shalt  }
0x64: {  	_ =	shalt  }
0x65: {  	_ =	shalt  }
0x66: {  	_ =	shalt  }
0x67: {  	_ =	shalt  }
0x68: {  	_ =	shalt  }
0x69: {  	_ =	shalt  }
0x6a: {  	_ =	shalt  }
0x6b: {  	_ =	shalt  }
0x6c: {  	_ =	shalt  }
0x6d: {  	_ =	shalt  }
0x6e: {  	_ =	shalt  }
0x6f: {  	_ =	shalt  }
0x70: {  	_ =	shalt  }
0x71: {  	_ =	shalt  }
0x72: {  	_ =	shalt  }
0x73: {  	_ =	shalt  }
0x74: {  	_ =	shalt  }
0x75: {  	_ =	shalt  }
0x76: {  	_ =	shalt  }
0x77: {  	_ =	shalt  }
0x78: {  	_ =	shalt  }
0x79: {  	_ =	shalt  }
0x7a: {  	_ =	shalt  }
0x7b: {  	_ =	shalt  }
0x7c: {  	_ =	shalt  }
0x7d: {  	_ =	shalt  }
0x7e: {  	_ =	shalt  }
0x7f: {  	_ =	shalt  }
0x80: {  	_ =	shalt  }
0x81: {  	_ =	shalt  }
0x82: {  	_ =	shalt  }
0x83: {  	_ =	shalt  }
0x84: {  	_ =	shalt  }
0x85: {  	_ =	shalt  }
0x86: {  	_ =	shalt  }
0x87: {  	_ =	shalt  }
.Lfunc_end0:
.L_simem_size_0:
called_computation.1_lowered:
.L_overlay_start_0:
0x88: {  	s2 =	sld [smem:$0x3FD9]  }
0x89: {  	s3 =	sld [smem:$0x3FFE];
	_ =	sdelay $0x1  }
0x8a: {  	s1 =	srdreg.scid  }
0x8b: {  	s0 =	sand.u32 $0x1, s1  }
0x8c: {  	s17 =	sshll.u32 s0, $0xA;
	s2 =	sadd.s32 s3, s2  }
0x8d: {  	s2 =	sadd.s32 s2, s17  }
0x8e: {  	[smem:$0x3FC5] =	sst s2  }
0x8f: {  	_ = 	snop  }
0x90: {  	(tm) =	ssettm $0x1  }
0x91: {  	s18 =	sld [smem:$0x3FFB];
	_ =	sdelay $0x3  }
0x92: {  	_ =	strace s18  }
0x93: {  	s2 =	sld [smem:$0x3FFC];
	_ =	sdelay $0x3  }
0x94: {  	_ =	strace s2  }
0x95: {  	s2 =	sld [smem:$0x3FFD];
	_ =	sdelay $0x3  }
0x96: {  	_ =	strace s2  }
0x97: {  	_ =	strace $0x8FFFFFFF  }
0x98: {  	s19 =	sld [smem:$0x3FDB];
	_ =	sdelay $0x1  }
0x99: {  	s20 =	simm.s32 $_scs_section_size  }
0x9a: {  	s4 =	simm.s32 $_size__tile_overlayer_lowered;
	s5 =	simm.s32 $_tile_overlayer_lowered  }
0x9b: {  	s6 =	simm.s32 $0x1BFF;
	s21 =	sshll.u32 s5, $0x1;
	s3 =	sadd.s32 s20, s19  }
0x9c: {  	s22 =	simm.s32 $0x0;
	s4 =	sshll.u32 s4, $0x1;
	s5 =	sadd.s32 s21, s3  }
0x9d: {  	[timem:s22], [sflag:s6] =	dma.local [hbm:s5], s4  }
0x9e: {  	_ =	swait.ge [sflag:s6], s4  }
0x9f: {  	s4 =	ssub.s32 $0x0, s4;
	[sflag:s6] =	ssyncset.done $0x0  }
0xa0: {  	[sflag:s6] =	ssyncadd.s32 s4;
	_ =	sdelay $0x1  }
0xa1: {  	s23 =	simm.s32 $0x1B8B  }
0xa2: {  	_ =	swait.ge [sflag:s23], $0x1  }
0xa3: {  	[sflag:s23] =	ssyncset.done $0x0  }
0xa4: {  	[sflag:s23] =	ssyncadd.s32 $0xFFFFFFFF  }
0xa5: {  	s4 =	sld [smem:$0x0]  }
0xa6: {  	s5 =	sand.u32 $0xFFFFFFFE, s1  }
0xa7: {  	p0 =	sne.s32 s1, s5  }
0xa8: {  	s5 =	sshll.u32 @p0 s5, $0xE  }
0xa9: {  	s5 =	sadd.s32 @p0 $0x11B8D, s5;
	s6 =	sshll.u32 @p0 s4, $0x11  }
0xaa: {  	s5 =	sor.u32 @p0 s6, s5  }
0xab: {  	[sflag:s5] =	ssyncadd.remote.s32 @p0 $0x1;
	_ =	sdelay $0x1  }
0xac: {  	s5 =	simm.s32 @p0 $0x1B8D  }
0xad: {  	_ =	swait.eq @p0 [sflag:s5], $0x1  }
0xae: {  	[sflag:s5] =	ssyncadd.s32 @p0 $0xFFFFFFFF  }
0xaf: {  	s6 =	sshll.u32 @!p0 s1, $0xE  }
0xb0: {  	s6 =	sor.u32 @!p0 $0x4000, s6;
	s5 =	simm.s32 @!p0 $0x1B8D  }
0xb1: {  	s4 =	sshll.u32 @!p0 s4, $0x11;
	s6 =	sadd.s32 @!p0 $0x11B8D, s6;
	_ =	swait.eq @!p0 [sflag:s5], $0x1  }
0xb2: {  	s4 =	sor.u32 @!p0 s4, s6;
	[sflag:s5] =	ssyncadd.s32 @!p0 $0xFFFFFFFF  }
0xb3: {  	s25 =	simm.s32 $0x1B8E;
	s24 =	sld [smem:$0x3FFE];
	[sflag:s4] =	ssyncadd.remote.s32 @!p0 $0x1  }
0xb4: {  	s26 =	simm.s32 $execute0_lowered;
	[smem:$0x3FD2] =	sst s25  }
0xb5: {  	s5 =	sshll.u32 s26, $0x1;
	_ =	strace $0x80000049;
	[dreg:$0x1] =	wrdreg $0xFFFFFFFF  }
0xb6: {  	s28 =	simm.s32 $_size_execute0_lowered;
	s3 =	sadd.s32 s3, s5;
	[dreg:$0x0] =	wrdreg $0x0  }
0xb7: {  	s5 =	sshll.u32 s28, $0x1;
	[dreg:$0x2] =	wrdreg s3  }
0xb8: {  	[dreg:$0x3] =	wrdreg s5  }
0xb9: {  	[dreg:$0x4] =	wrdreg $0xC0  }
0xba: {  	_ =	task [dreg:s22], $0x5FFFF  }
0xbb: {  	[dreg:$0x1] =	wrdreg $0xFFFFFFFF  }
0xbc: {  	[dreg:$0x0] =	wrdreg $0x60  }
0xbd: {  	[dreg:$0x2] =	wrdreg s24  }
0xbe: {  	[dreg:$0x3] =	wrdreg $0xA  }
0xbf: {  	_ =	task.clear_ibuf [dreg:s22], $0x4FFFF;
	_ =	strace $0x90000049  }
0xc0: {  	s29 =	simm.s32 $0xA;
	_ =	strace $0x8000004B  }
0xc1: {  	_ =	swait.ge [sflag:s29], $0x1  }
0xc2: {  	[sflag:s29] =	ssyncadd.s32 $0xFFFFFFFF  }
0xc3: {  	_ =	strace $0x9000004B  }
0xc4: {  	_ =	sfence  }
0xc5: {  	s30 =	sld [smem:$0x0];
	_ =	sdelay $0x2  }
0xc6: {  	s31 =	sshll.u32 s1, $0xD;
	s1 =	sshrl.u32 s1, $0x2  }
0xc7: {  	s4 =	sand.u32 $0x4000, s31;
	s1 =	sadd.s32 s1, s30  }
0xc8: {  	s0 =	sor.u32 s4, s0;
	s1 =	sshll.u32 s1, $0x11  }
0xc9: {  	s0 =	sor.u32 s1, s0  }
0xca: {  	s0 =	sadd.s32 $0x8F2B, s0  }
0xcb: {  	[sflag:s0] =	ssyncadd.remote.s32 $0x1  }
0xcc: {  	_ =	sfence.sel $0xFFFF  }
0xcd: {  	[dreg:$0x0] =	wrdreg $0xFFFFFFFF;
	(pc) =	sbr.abs _section_cstart, $3  }
0xce: {  	[dreg:$0x1] =	wrdreg $0xFFFFFFFF  }
0xcf: {  	_ =	task.clear_ibuf [dreg:s22], $0x2FFFF;
	_ =	strace $0x9FFFFFFF  }
0xd0: {  	(tm) =	ssettm $0x7FFFFFFF  }
0xd1: {  	_ =	shalt  }
tec
execute0_lowered:
.L_overlay_start_1:
0x0: {  	(tag) =	ssettag $0x1  }
0x1: {  	s1 =	srdreg.scid  }
0x2: {  	s0 =	stileid.u32;
	s4 =	rddreg [dreg:$0x0];
	s2 =	simm.s32 $0x0  }
0x3: {  	s7 =	simm.s32 $0x9;
	s8 =	simm.s32 $0x80;
	s9 =	simm.s32 $0x880  }
0x4: {  	s10 =	simm.s32 $0x1080;
	s11 =	simm.s32 $0x1880;
	s12 =	simm.s32 $0x2080  }
0x5: {  	s13 =	simm.s32 $0x2880;
	s14 =	simm.s32 $0x3080;
	s15 =	simm.s32 $0x3880  }
0x6: {  	s16 =	simm.s32 $0x4080;
	s17 =	simm.s32 $0x4880;
	s18 =	simm.s32 $0x5080  }
0x7: {  	s19 =	simm.s32 $0x5880;
	s20 =	simm.s32 $0x6080;
	s21 =	simm.s32 $0x6880  }
0x8: {  	s22 =	simm.s32 $0x7080;
	s28 =	simm.s32 $0x4;
	s29 =	simm.s32 $0x5  }
0x9: {  	s30 =	simm.s32 $0x6;
	s31 =	simm.s32 $0x7;
	s1 =	sand.u32 $0x1, s1  }
0xa: {  	s3 =	sshll.u32 s0, $0x8;
	[smem:$0x7FF] =	sst s2;
	s5 =	sshll.u32 s1, $0x7  }
0xb: {  	_ =	strace $0x8000004A;
	s1 =	ssub.s32 $0x2, s1;
	s3 =	sor.u32 s5, s3  }
0xc: {  	s25 =	sshrl.u32 s1, $0x1;
	s5 =	sshrl.u32 s3, $0x3;
	s6 =	sshll.u32 s3, $0x5  }
0xd: {  	s3 =	sadd.s32 $0x1C00, s4;
	s1 =	ssub.s32 s1, s25;
	s5 =	sadd.s32 s5, s4  }
0xe: {  	s25 =	simm.s32 $0x2;
	s6 =	sadd.s32 s6, s4;
	s23 =	sadd.s32 $0x9C00, s5  }
0xf: {  	s24 =	sadd.s32 $0x9E00, s6;
	s26 =	sadd.s32 $0xA200, s6;
	[dreg:$0x2] =	wrdreg s23  }
0x10: {  	v2 =	vlaneseq.u32;
	s4 =	sadd.s32 $0xA600, s6;
	s5 =	sadd.s32 $0xAA00, s6;
	[dreg:$0x3] =	wrdreg s24  }
0x11: {  	vm0 =	vmmov $0xffff;
	v1 =	vshrl.u32 v2, $0x3;
	s6 =	smax.u32 s1, $0x1;
	s1 =	simm.s32 $0x8;
	[dreg:$0x4] =	wrdreg s26  }
0x12: {  	v0 =	vand.u32 $0x7, v2;
	v2 =	vor.u32 $0x8, v2;
	v1 =	vmul.u32 $0x8, v1;
	s23 =	simm.s32 $0x7880;
	s24 =	simm.s32 $0x1;
	s26 =	simm.s32 $0x3  }
.LBB2_1:
0x13: {  	s0 =	rddreg [dreg:$0x2]  }
0x14: {  	[tilespmem:s2], [sflag:$0x9] =	stream.linear.gather [hbm4b:s0+s2], $0x80, $0x38;
	[tilespmem:$0x8080] =	vst v63  }
0x15: {  	_ =	swait.ge [sflag:s7], $0x80  }
0x16: {  	[sflag:s7] =	ssyncset.done $0x0  }
0x17: {  	[sflag:s7] =	ssyncadd.s32 $0xFFFFFF80  }
0x18: {  	v3 =	vld [tilespmem:$0x0];
	_ =	sdelay $0x4  }
0x19: {  	v4 =	vshll.u32 v3, $0x1  }
0x1a: {  	v3 =	vand.u32 $0x7, v3;
	v4 =	vand.u32 $0xFFFFFFF0, v4  }
0x1b: {  	v3 =	vor.u32 v3, v4  }
0x1c: {  	v4 =	vperm.xlane v3, v0;
	_ =	sdelay $0x1  }
0x1d: {  	v3 =	vperm.xlane v3, v2;
	v4 =	vadd.s32 v1, v4;
	_ =	sdelay $0x1  }
0x1e: {  	v3 =	vadd.s32 v1, v3;
	_ =	sdelay $0x2  }
0x1f: {  	[tilespmem:s8], [sflag:$0x1] =	stream.indirect_vreg.gather [hbm4b:s3+s2], $0x80, v4, vm0, $0xb8;
	[tilespmem:$0x8080] =	vst v63  }
0x20: {  	_ = 	snop  }
0x21: {  	[tilespmem:s9], [sflag:$0x1] =	stream.indirect_vreg.gather [hbm4b:s3+s2], $0x80, v3, vm0, $0xb8;
	[tilespmem:$0x8080] =	vst v63  }
0x22: {  	v3 =	vld [tilespmem:$0x10];
	_ =	sdelay $0x4  }
0x23: {  	v57 =	vshll.u32 v3, $0x1  }
0x24: {  	v3 =	vand.u32 $0x7, v3;
	v4 =	vand.u32 $0xFFFFFFF0, v57  }
0x25: {  	v3 =	vor.u32 v3, v4  }
0x26: {  	v4 =	vperm.xlane v3, v0;
	_ =	sdelay $0x1  }
0x27: {  	v3 =	vperm.xlane v3, v2;
	v4 =	vadd.s32 v1, v4;
	_ =	sdelay $0x1  }
0x28: {  	v3 =	vadd.s32 v1, v3;
	_ =	sdelay $0x2  }
0x29: {  	[tilespmem:s10], [sflag:$0x1] =	stream.indirect_vreg.gather [hbm4b:s3+s2], $0x80, v4, vm0, $0xb8;
	[tilespmem:$0x8080] =	vst v63  }
0x2a: {  	_ = 	snop  }
0x2b: {  	[tilespmem:s11], [sflag:$0x1] =	stream.indirect_vreg.gather [hbm4b:s3+s2], $0x80, v3, vm0, $0xb8;
	[tilespmem:$0x8080] =	vst v63  }
0x2c: {  	v3 =	vld [tilespmem:$0x20];
	_ =	sdelay $0x4  }
0x2d: {  	v58 =	vshll.u32 v3, $0x1  }
0x2e: {  	v3 =	vand.u32 $0x7, v3;
	v4 =	vand.u32 $0xFFFFFFF0, v58  }
0x2f: {  	v3 =	vor.u32 v3, v4  }
0x30: {  	v4 =	vperm.xlane v3, v0;
	_ =	sdelay $0x1  }
0x31: {  	v3 =	vperm.xlane v3, v2;
	v4 =	vadd.s32 v1, v4;
	_ =	sdelay $0x1  }
0x32: {  	v3 =	vadd.s32 v1, v3;
	_ =	sdelay $0x2  }
0x33: {  	[tilespmem:s12], [sflag:$0x2] =	stream.indirect_vreg.gather [hbm4b:s3+s2], $0x80, v4, vm0, $0xb8;
	[tilespmem:$0x8080] =	vst v63  }
0x34: {  	_ = 	snop  }
0x35: {  	[tilespmem:s13], [sflag:$0x2] =	stream.indirect_vreg.gather [hbm4b:s3+s2], $0x80, v3, vm0, $0xb8;
	[tilespmem:$0x8080] =	vst v63  }
0x36: {  	v3 =	vld [tilespmem:$0x30];
	_ =	sdelay $0x4  }
0x37: {  	v59 =	vshll.u32 v3, $0x1  }
0x38: {  	v3 =	vand.u32 $0x7, v3;
	v4 =	vand.u32 $0xFFFFFFF0, v59  }
0x39: {  	v3 =	vor.u32 v3, v4  }
0x3a: {  	v4 =	vperm.xlane v3, v0;
	_ =	sdelay $0x1  }
0x3b: {  	v3 =	vperm.xlane v3, v2;
	v4 =	vadd.s32 v1, v4;
	_ =	sdelay $0x1  }
0x3c: {  	v3 =	vadd.s32 v1, v3;
	_ =	sdelay $0x2  }
0x3d: {  	[tilespmem:s14], [sflag:$0x2] =	stream.indirect_vreg.gather [hbm4b:s3+s2], $0x80, v4, vm0, $0xb8;
	[tilespmem:$0x8080] =	vst v63  }
0x3e: {  	_ = 	snop  }
0x3f: {  	[tilespmem:s15], [sflag:$0x2] =	stream.indirect_vreg.gather [hbm4b:s3+s2], $0x80, v3, vm0, $0xb8;
	[tilespmem:$0x8080] =	vst v63  }
0x40: {  	v3 =	vld [tilespmem:$0x40];
	_ =	sdelay $0x4  }
0x41: {  	v60 =	vshll.u32 v3, $0x1  }
0x42: {  	v3 =	vand.u32 $0x7, v3;
	v4 =	vand.u32 $0xFFFFFFF0, v60  }
0x43: {  	v3 =	vor.u32 v3, v4  }
0x44: {  	v4 =	vperm.xlane v3, v0;
	_ =	sdelay $0x1  }
0x45: {  	v3 =	vperm.xlane v3, v2;
	v4 =	vadd.s32 v1, v4;
	_ =	sdelay $0x1  }
0x46: {  	v3 =	vadd.s32 v1, v3;
	_ =	sdelay $0x2  }
0x47: {  	[tilespmem:s16], [sflag:$0x3] =	stream.indirect_vreg.gather [hbm4b:s3+s2], $0x80, v4, vm0, $0xb8;
	[tilespmem:$0x8080] =	vst v63  }
0x48: {  	_ = 	snop  }
0x49: {  	[tilespmem:s17], [sflag:$0x3] =	stream.indirect_vreg.gather [hbm4b:s3+s2], $0x80, v3, vm0, $0xb8;
	[tilespmem:$0x8080] =	vst v63  }
0x4a: {  	v3 =	vld [tilespmem:$0x50];
	_ =	sdelay $0x4  }
0x4b: {  	v61 =	vshll.u32 v3, $0x1  }
0x4c: {  	v3 =	vand.u32 $0x7, v3;
	v4 =	vand.u32 $0xFFFFFFF0, v61  }
0x4d: {  	v3 =	vor.u32 v3, v4  }
0x4e: {  	v4 =	vperm.xlane v3, v0;
	_ =	sdelay $0x1  }
0x4f: {  	v3 =	vperm.xlane v3, v2;
	v4 =	vadd.s32 v1, v4;
	_ =	sdelay $0x1  }
0x50: {  	v3 =	vadd.s32 v1, v3;
	_ =	sdelay $0x2  }
0x51: {  	[tilespmem:s18], [sflag:$0x3] =	stream.indirect_vreg.gather [hbm4b:s3+s2], $0x80, v4, vm0, $0xb8;
	[tilespmem:$0x8080] =	vst v63  }
0x52: {  	_ = 	snop  }
0x53: {  	[tilespmem:s19], [sflag:$0x3] =	stream.indirect_vreg.gather [hbm4b:s3+s2], $0x80, v3, vm0, $0xb8;
	[tilespmem:$0x8080] =	vst v63  }
0x54: {  	v3 =	vld [tilespmem:$0x60];
	_ =	sdelay $0x4  }
0x55: {  	v62 =	vshll.u32 v3, $0x1  }
0x56: {  	v3 =	vand.u32 $0x7, v3;
	v4 =	vand.u32 $0xFFFFFFF0, v62  }
0x57: {  	v3 =	vor.u32 v3, v4  }
0x58: {  	v4 =	vperm.xlane v3, v0;
	_ =	sdelay $0x1  }
0x59: {  	v3 =	vperm.xlane v3, v2;
	v4 =	vadd.s32 v1, v4;
	_ =	sdelay $0x1  }
0x5a: {  	v3 =	vadd.s32 v1, v3;
	_ =	sdelay $0x2  }
0x5b: {  	[tilespmem:s20], [sflag:$0x4] =	stream.indirect_vreg.gather [hbm4b:s3+s2], $0x80, v4, vm0, $0xb8;
	[tilespmem:$0x8080] =	vst v63  }
0x5c: {  	_ = 	snop  }
0x5d: {  	[tilespmem:s21], [sflag:$0x4] =	stream.indirect_vreg.gather [hbm4b:s3+s2], $0x80, v3, vm0, $0xb8;
	[tilespmem:$0x8080] =	vst v63  }
0x5e: {  	v3 =	vld [tilespmem:$0x70];
	_ =	sdelay $0x4  }
0x5f: {  	v63 =	vshll.u32 v3, $0x1  }
0x60: {  	v3 =	vand.u32 $0x7, v3;
	v4 =	vand.u32 $0xFFFFFFF0, v63  }
0x61: {  	v3 =	vor.u32 v3, v4  }
0x62: {  	v4 =	vperm.xlane v3, v0;
	_ =	sdelay $0x1  }
0x63: {  	v3 =	vperm.xlane v3, v2;
	v4 =	vadd.s32 v1, v4;
	_ =	sdelay $0x1  }
0x64: {  	v3 =	vadd.s32 v1, v3;
	_ =	sdelay $0x2  }
0x65: {  	[tilespmem:s22], [sflag:$0x4] =	stream.indirect_vreg.gather [hbm4b:s3+s2], $0x80, v4, vm0, $0xb8;
	[tilespmem:$0x8080] =	vst v63  }
0x66: {  	_ = 	snop  }
0x67: {  	[tilespmem:s23], [sflag:$0x4] =	stream.indirect_vreg.gather [hbm4b:s3+s2], $0x80, v3, vm0, $0xb8;
	[tilespmem:$0x8080] =	vst v63  }
0x68: {  	_ =	swait.ge [sflag:s24], $0x2000  }
0x69: {  	[sflag:s24] =	ssyncset.done $0x0  }
0x6a: {  	s0 =	rddreg [dreg:$0x3];
	[sflag:s24] =	ssyncadd.s32 $0xFFFFE000  }
0x6b: {  	[hbm4b:s0+s2] =	stream.linear.scatter [tilespmem:s8], [sflag:$0x5], $0x2000, $0x38;
	[tilespmem:$0x8080] =	vst v63  }
0x6c: {  	_ =	swait.ge [sflag:s25], $0x2000  }
0x6d: {  	[sflag:s25] =	ssyncset.done $0x0  }
0x6e: {  	s0 =	rddreg [dreg:$0x4];
	[sflag:s25] =	ssyncadd.s32 $0xFFFFE000  }
0x6f: {  	[hbm4b:s0+s2] =	stream.linear.scatter [tilespmem:s12], [sflag:$0x6], $0x2000, $0x38;
	[tilespmem:$0x8080] =	vst v63  }
0x70: {  	_ =	swait.ge [sflag:s26], $0x2000  }
0x71: {  	[sflag:s26] =	ssyncset.done $0x0  }
0x72: {  	[sflag:s26] =	ssyncadd.s32 $0xFFFFE000  }
0x73: {  	[hbm4b:s4+s2] =	stream.linear.scatter [tilespmem:s16], [sflag:$0x7], $0x2000, $0x38;
	[tilespmem:$0x8080] =	vst v63  }
0x74: {  	_ =	swait.ge [sflag:s28], $0x2000  }
0x75: {  	[sflag:s28] =	ssyncset.done $0x0  }
0x76: {  	[sflag:s28] =	ssyncadd.s32 $0xFFFFE000  }
0x77: {  	[hbm4b:s5+s2] =	stream.linear.scatter [tilespmem:s20], [sflag:$0x8], $0x2000, $0x38;
	[tilespmem:$0x8080] =	vst v63  }
0x78: {  	_ =	swait.ge [sflag:s29], $0x2000  }
0x79: {  	[sflag:s29] =	ssyncset.done $0x0  }
0x7a: {  	[sflag:s29] =	ssyncadd.s32 $0xFFFFE000  }
0x7b: {  	_ =	swait.ge [sflag:s30], $0x2000  }
0x7c: {  	[sflag:s30] =	ssyncset.done $0x0  }
0x7d: {  	[sflag:s30] =	ssyncadd.s32 $0xFFFFE000  }
0x7e: {  	p0 =	sne.s32 s6, $0x1;
	_ =	swait.ge [sflag:s31], $0x2000  }
.Ltmp0:
0x7f: {  	[sflag:s31] =	ssyncset.done $0x0;
	(pc) =	sbr.rel @p0 .LBB2_1-.Ltmp0, $4  }
0x80: {  	[sflag:s31] =	ssyncadd.s32 $0xFFFFE000  }
0x81: {  	_ =	swait.ge [sflag:s1], $0x2000  }
0x82: {  	[sflag:s1] =	ssyncset.done $0x0  }
0x83: {  	s6 =	sadd.s32 $0xFFFFFFFF, s6;
	[sflag:s1] =	ssyncadd.s32 $0xFFFFE000  }
0x84: {  	_ =	sfence.sel $0x180000  }
0x85: {  	[bflag:$0x0] =	sbarrier.arrive $0xFFFF  }
0x86: {  	_ =	strace $0x9000004A  }
0x87: {  	s0 =	stileid.u32;
	[bflag:$0x2] =	sbarrier.arrive $0xFFFF  }
0x88: {  	p0 =	sne.s32 s0, $0x0;
	s0 =	rddreg [dreg:$0x1]  }
0x89: {  	s0 =	sadd.s32 @!p0 $0x100000, s0  }
0x8a: {  	[sflag:s0] =	ssyncadd.tile.s32 @!p0 $0x1;
	_ =	shalt  }
.Lfunc_end2:
_tile_overlayer_lowered:
.L_overlay_start_2:
0x8b: {  	(tag) =	ssettag $0x2  }
0x8c: {  	s0 =	rddreg [dreg:$0x0];
	s2 =	stileid.u32  }
0x8d: {  	s1 =	rddreg [dreg:$0x1];
	p0 =	sne.s32 s2, $0x0  }
0x8e: {  	s3 =	rddreg [dreg:$0x2];
	[bflag:$0x3] =	sbarrier.arrive $0xFFFF;
	s2 =	simm.s32 @!p0 $0x1C09  }
0x8f: {  	[timem:s3], [sflag:s2] =	dma.local @!p0 [hbm:s0], s1  }
0x90: {  	s0 =	simm.s32 @!p0 $0x9  }
0x91: {  	_ =	swait.ge @!p0 [sflag:s0], s1  }
0x92: {  	s1 =	ssub.s32 @!p0 $0x0, s1;
	[sflag:s0] =	ssyncset.done @!p0 $0x0  }
0x93: {  	[sflag:s0] =	ssyncadd.s32 @!p0 s1  }
0x94: {  	[bflag:$0x3] =	sbarrier.arrive $0xFFFF  }
0x95: {  	_ =	shalt  }

// kernel: kernel.8.cloned.1.call-start
scs
__scs_entry_jumppad:
0x0: {  	(pc) =	sbr.rel $0x88, $3  }
0x1: {  	(tag) =	ssettag $0x0;
	lr =	simm.s32 $0x1  }
0x2: {  	[smem:$0x3F9E] =	sst lr;
	_ =	strace $0xD0000000  }
0x3: {  	_ = 	snop  }
0x4: {  	_ = 	snop  }
0x5: {  	_ = 	snop  }
0x6: {  	_ = 	snop  }
0x7: {  	_ = 	snop  }
__scs_overlays_trampoline_lowered:
0x8: {  	[smem:$0x3FAD] =	sst s0  }
0x9: {  	[smem:$0x3FAE] =	sst s1  }
0xa: {  	[smem:$0x3FAF] =	sst s2  }
0xb: {  	[smem:$0x3FB0] =	sst s3  }
0xc: {  	[smem:$0x3FB1] =	sst s4  }
0xd: {  	[smem:$0x3FB2] =	sst s5  }
0xe: {  	[smem:$0x3FB3] =	sst s6  }
0xf: {  	[smem:$0x3FB4] =	sst s7  }
0x10: {  	[smem:$0x3FB5] =	sst s8  }
0x11: {  	[smem:$0x3FB6] =	sst s9;
	s0 =	simm.s32 @!p0 $0x0  }
0x12: {  	s1 =	sld [smem:$0x3F9C];
	s0 =	simm.s32 @p0 $0x1  }
0x13: {  	[smem:$0x3FB7] =	sst s0;
	s0 =	simm.s32 @!p1 $0x0  }
0x14: {  	s2 =	sld [smem:$0x3F9B];
	s0 =	simm.s32 @p1 $0x1  }
0x15: {  	[smem:$0x3FB8] =	sst s0;
	s0 =	simm.s32 @!p2 $0x0  }
0x16: {  	s3 =	sld [smem:$0x3FDB];
	s0 =	simm.s32 @p2 $0x1  }
0x17: {  	s4 =	simm.s32 $0x1BF5;
	[smem:$0x3FBA] =	sst s0  }
0x18: {  	s0 =	sld [smem:$0x3F9D];
	_ =	swait.ge [sflag:s4], $0x0  }
0x19: {  	s7 =	sld [smem:$0x3F9E]  }
0x1a: {  	s8 =	sadd.s32 $0xFFFFE003, lr  }
0x1b: {  	s9 =	sadd.s32 $0xFFFFFEF7, lr;
	s5 =	simm.s32 $0xFFFFFFFF;
	p2 =	slt.u32 s8, $0xFFFFF086  }
0x1c: {  	p1 =	slt.u32 s9, $0xF7A;
	s5 =	simm.s32 @!p2 $0x0  }
0x1d: {  	s5 =	simm.s32 @p1 $0x1;
	p0 =	seq.s32 s7, s2  }
0x1e: {  	s7 =	smul.u32 @!p0 $0xF7A, s2;
	p2 =	seq.s32 @!p0 s5, $0x0  }
0x1f: {  	s9 =	smul.u32 $0xF7A, s1;
	s8 =	simm.s32 @!p0 $0x1BF5;
	p2 =	por !p2, p0  }
0x20: {  	[sflag:s8] =	ssyncset.s32 @!p0 $0xFFFFF086;
	s6 =	sadd.s32 @!p0 s3, s7;
	s7 =	simm.s32 @!p0 $0x108  }
0x21: {  	s3 =	sadd.s32 s3, s9;
	s6 =	sadd.s32 @!p0 $0x88, s6;
	s7 =	simm.s32 @p2 $0x1082  }
0x22: {  	[simem:s7], [sflag:s8] =	dma.local @!p0 [hbm:s6], $0xF7A  }
0x23: {  	s9 =	sor.u32 $0xD0000000, s2;
	s6 =	simm.s32 $0x108;
	_ =	swait.ge @!p0 [sflag:s8], $0x0  }
0x24: {  	s3 =	sadd.s32 $0x88, s3;
	s6 =	simm.s32 @!p1 $0x1082;
	[sflag:s4] =	ssyncset.s32 $0xFFFFF086  }
0x25: {  	[simem:s6], [sflag:s4] =	dma.local [hbm:s3], $0xF7A  }
0x26: {  	[smem:$0x3F9E] =	sst s1;
	(tag) =	ssettag s2;
	_ =	strace s9  }
0x27: {  	s1 =	sld [smem:$0x3FAE]  }
0x28: {  	s2 =	sld [smem:$0x3FAF]  }
0x29: {  	s4 =	sld [smem:$0x3FB1]  }
0x2a: {  	p0 =	seq.s32 s5, $0x0;
	s5 =	sld [smem:$0x3FB2]  }
0x2b: {  	s6 =	sld [smem:$0x3FB3]  }
0x2c: {  	s7 =	sld [smem:$0x3FB4]  }
0x2d: {  	s3 =	simm.s32 $0x108;
	s8 =	sld [smem:$0x3FB5]  }
0x2e: {  	s3 =	simm.s32 @!p0 $0x1082;
	s9 =	sld [smem:$0x3FB6]  }
0x2f: {  	lr =	sadd.s32 s0, s3;
	s0 =	sld [smem:$0x3FAD]  }
0x30: {  	s3 =	sld [smem:$0x3FB0]  }
0x31: {  	[smem:$0x3FB9] =	sst s10  }
0x32: {  	s10 =	sld [smem:$0x3FB7];
	_ =	sdelay $0x3  }
0x33: {  	p0 =	seq.s32 s10, $0x1;
	s10 =	sld [smem:$0x3FB9];
	_ =	sdelay $0x3  }
0x34: {  	[smem:$0x3FB9] =	sst s10  }
0x35: {  	s10 =	sld [smem:$0x3FB8];
	_ =	sdelay $0x3  }
0x36: {  	p1 =	seq.s32 s10, $0x1;
	s10 =	sld [smem:$0x3FB9];
	_ =	sdelay $0x3  }
0x37: {  	[smem:$0x3FB9] =	sst s10  }
0x38: {  	s10 =	sld [smem:$0x3FBA]  }
0x39: {  	_ = 	snop;
	(pc) =	sbr.ind lr, $3  }
0x3a: {  	_ = 	snop  }
0x3b: {  	_ = 	snop  }
0x3c: {  	p2 =	seq.s32 s10, $0x1;
	s10 =	sld [smem:$0x3FB9]  }
0x3d: {  	_ =	shalt  }
0x3e: {  	_ =	shalt  }
0x3f: {  	_ =	shalt  }
0x40: {  	_ =	shalt  }
0x41: {  	_ =	shalt  }
0x42: {  	_ =	shalt  }
0x43: {  	_ =	shalt  }
0x44: {  	_ =	shalt  }
0x45: {  	_ =	shalt  }
0x46: {  	_ =	shalt  }
0x47: {  	_ =	shalt  }
0x48: {  	_ =	shalt  }
0x49: {  	_ =	shalt  }
0x4a: {  	_ =	shalt  }
0x4b: {  	_ =	shalt  }
0x4c: {  	_ =	shalt  }
0x4d: {  	_ =	shalt  }
0x4e: {  	_ =	shalt  }
0x4f: {  	_ =	shalt  }
0x50: {  	_ =	shalt  }
0x51: {  	_ =	shalt  }
0x52: {  	_ =	shalt  }
0x53: {  	_ =	shalt  }
0x54: {  	_ =	shalt  }
0x55: {  	_ =	shalt  }
0x56: {  	_ =	shalt  }
0x57: {  	_ =	shalt  }
0x58: {  	_ =	shalt  }
0x59: {  	_ =	shalt  }
0x5a: {  	_ =	shalt  }
0x5b: {  	_ =	shalt  }
0x5c: {  	_ =	shalt  }
0x5d: {  	_ =	shalt  }
0x5e: {  	_ =	shalt  }
0x5f: {  	_ =	shalt  }
0x60: {  	_ =	shalt  }
0x61: {  	_ =	shalt  }
0x62: {  	_ =	shalt  }
0x63: {  	_ =	shalt  }
0x64: {  	_ =	shalt  }
0x65: {  	_ =	shalt  }
0x66: {  	_ =	shalt  }
0x67: {  	_ =	shalt  }
0x68: {  	_ =	shalt  }
0x69: {  	_ =	shalt  }
0x6a: {  	_ =	shalt  }
0x6b: {  	_ =	shalt  }
0x6c: {  	_ =	shalt  }
0x6d: {  	_ =	shalt  }
0x6e: {  	_ =	shalt  }
0x6f: {  	_ =	shalt  }
0x70: {  	_ =	shalt  }
0x71: {  	_ =	shalt  }
0x72: {  	_ =	shalt  }
0x73: {  	_ =	shalt  }
0x74: {  	_ =	shalt  }
0x75: {  	_ =	shalt  }
0x76: {  	_ =	shalt  }
0x77: {  	_ =	shalt  }
0x78: {  	_ =	shalt  }
0x79: {  	_ =	shalt  }
0x7a: {  	_ =	shalt  }
0x7b: {  	_ =	shalt  }
0x7c: {  	_ =	shalt  }
0x7d: {  	_ =	shalt  }
0x7e: {  	_ =	shalt  }
0x7f: {  	_ =	shalt  }
0x80: {  	_ =	shalt  }
0x81: {  	_ =	shalt  }
0x82: {  	_ =	shalt  }
0x83: {  	_ =	shalt  }
0x84: {  	_ =	shalt  }
0x85: {  	_ =	shalt  }
0x86: {  	_ =	shalt  }
0x87: {  	_ =	shalt  }
.Lfunc_end0:
.L_simem_size_0:
called_computation_lowered:
.L_overlay_start_0:
0x88: {  	s2 =	sld [smem:$0x3FD9]  }
0x89: {  	s3 =	sld [smem:$0x3FFE];
	_ =	sdelay $0x1  }
0x8a: {  	s1 =	srdreg.scid  }
0x8b: {  	s0 =	sand.u32 $0x1, s1  }
0x8c: {  	s14 =	sshll.u32 s0, $0xA;
	s2 =	sadd.s32 s3, s2  }
0x8d: {  	s2 =	sadd.s32 s2, s14  }
0x8e: {  	[smem:$0x3FC5] =	sst s2  }
0x8f: {  	_ = 	snop  }
0x90: {  	s2 =	sld [smem:$0x3FD0];
	_ =	sdelay $0x2  }
0x91: {  	s15 =	simm.s32 $0xB;
	s4 =	simm.s32 $0x10  }
0x92: {  	[smem:s4], [sflag:s15] =	dma.local [hbm:s2], $0x1  }
0x93: {  	_ =	swait.eq [sflag:s15], $0x1  }
0x94: {  	[sflag:s15] =	ssyncset.done $0x0  }
0x95: {  	s16 =	sld [smem:$0x10];
	[sflag:s15] =	ssyncadd.s32 $0xFFFFFFFF  }
0x96: {  	s17 =	sld [smem:$0x11];
	(tm) =	ssettm $0x1  }
0x97: {  	s18 =	sld [smem:$0x3FFB];
	_ =	sdelay $0x3  }
0x98: {  	_ =	strace s18  }
0x99: {  	s4 =	sld [smem:$0x3FFC];
	_ =	sdelay $0x3  }
0x9a: {  	_ =	strace s4  }
0x9b: {  	s4 =	sld [smem:$0x3FFD];
	_ =	sdelay $0x3  }
0x9c: {  	_ =	strace s4  }
0x9d: {  	_ =	strace $0x8FFFFFFF  }
0x9e: {  	s19 =	sld [smem:$0x3FDB];
	_ =	sdelay $0x1  }
0x9f: {  	s5 =	simm.s32 $_scs_section_size  }
0xa0: {  	s6 =	simm.s32 $_size__tile_overlayer_lowered;
	s7 =	simm.s32 $_tile_overlayer_lowered  }
0xa1: {  	s22 =	simm.s32 $0x1BFF;
	s21 =	sshll.u32 s7, $0x1;
	s4 =	sadd.s32 s5, s19  }
0xa2: {  	s8 =	simm.s32 $0x0;
	s20 =	sshll.u32 s6, $0x1;
	s6 =	sadd.s32 s21, s4  }
0xa3: {  	[timem:s8], [sflag:s22] =	dma.local [hbm:s6], s20  }
0xa4: {  	_ =	swait.ge [sflag:s22], s20  }
0xa5: {  	s5 =	ssub.s32 $0x0, s20;
	[sflag:s22] =	ssyncset.done $0x0  }
0xa6: {  	[sflag:s22] =	ssyncadd.s32 s5;
	_ =	sdelay $0x1  }
0xa7: {  	s23 =	simm.s32 $0x1B8B  }
0xa8: {  	_ =	swait.ge [sflag:s23], $0x1  }
0xa9: {  	[sflag:s23] =	ssyncset.done $0x0  }
0xaa: {  	s25 =	simm.s32 $0x1B8E;
	s24 =	sld [smem:$0x3FFE];
	[sflag:s23] =	ssyncadd.s32 $0xFFFFFFFF  }
0xab: {  	s26 =	simm.s32 $execute0_lowered;
	[smem:$0x3FD2] =	sst s25  }
0xac: {  	s6 =	sshll.u32 s26, $0x1;
	_ =	strace $0x80000046;
	[dreg:$0x1] =	wrdreg $0xFFFFFFFF  }
0xad: {  	s28 =	simm.s32 $_size_execute0_lowered;
	s4 =	sadd.s32 s4, s6;
	[dreg:$0x0] =	wrdreg $0x0  }
0xae: {  	s6 =	sshll.u32 s28, $0x1;
	[dreg:$0x2] =	wrdreg s4  }
0xaf: {  	[dreg:$0x3] =	wrdreg s6  }
0xb0: {  	[dreg:$0x4] =	wrdreg $0xC0  }
0xb1: {  	_ =	task [dreg:s8], $0x5FFFF  }
0xb2: {  	[dreg:$0x1] =	wrdreg $0xFFFFFFFF  }
0xb3: {  	[dreg:$0x0] =	wrdreg $0x60  }
0xb4: {  	[dreg:$0x2] =	wrdreg s24  }
0xb5: {  	[dreg:$0x3] =	wrdreg s17  }
0xb6: {  	[dreg:$0x4] =	wrdreg s16  }
0xb7: {  	[dreg:$0x5] =	wrdreg $0x9  }
0xb8: {  	_ =	task.clear_ibuf [dreg:s8], $0x6FFFF;
	_ =	strace $0x90000046  }
0xb9: {  	s29 =	simm.s32 $0x9;
	_ =	strace $0x80000048  }
0xba: {  	_ =	swait.ge [sflag:s29], $0x1  }
0xbb: {  	[sflag:s29] =	ssyncadd.s32 $0xFFFFFFFF  }
0xbc: {  	_ =	strace $0x90000048  }
0xbd: {  	_ =	sfence  }
0xbe: {  	s30 =	sld [smem:$0x0];
	_ =	sdelay $0x2  }
0xbf: {  	s31 =	sshll.u32 s1, $0xD;
	s1 =	sshrl.u32 s1, $0x2  }
0xc0: {  	s3 =	sand.u32 $0x4000, s31;
	s1 =	sadd.s32 s1, s30  }
0xc1: {  	s0 =	sor.u32 s3, s0;
	s1 =	sshll.u32 s1, $0x11  }
0xc2: {  	s0 =	sor.u32 s1, s0  }
0xc3: {  	s0 =	sadd.s32 $0x8F2B, s0  }
0xc4: {  	[sflag:s0] =	ssyncadd.remote.s32 $0x1  }
0xc5: {  	_ =	sfence.sel $0xFFFF  }
0xc6: {  	[dreg:$0x0] =	wrdreg $0xFFFFFFFF;
	(pc) =	sbr.abs _section_cstart, $3  }
0xc7: {  	[dreg:$0x1] =	wrdreg $0xFFFFFFFF  }
0xc8: {  	_ =	task.clear_ibuf [dreg:s8], $0x2FFFF;
	_ =	strace $0x9FFFFFFF  }
0xc9: {  	(tm) =	ssettm $0x7FFFFFFF  }
tec
execute0_lowered:
.L_overlay_start_1:
0x0: {  	(tag) =	ssettag $0x1  }
0x1: {  	s1 =	rddreg [dreg:$0x0];
	s2 =	srdreg.scid  }
0x2: {  	s3 =	rddreg [dreg:$0x1];
	s0 =	stileid.u32  }
0x3: {  	s5 =	rddreg [dreg:$0x2];
	s8 =	simm.s32 $0x80;
	s9 =	simm.s32 $0x880  }
0x4: {  	s10 =	simm.s32 $0x1080;
	s11 =	simm.s32 $0x1880;
	s12 =	simm.s32 $0x2080  }
0x5: {  	s13 =	simm.s32 $0x2880;
	s14 =	simm.s32 $0x3080;
	s15 =	simm.s32 $0x3880  }
0x6: {  	s16 =	simm.s32 $0x4080;
	s17 =	simm.s32 $0x4880;
	s18 =	simm.s32 $0x5080  }
0x7: {  	s19 =	simm.s32 $0x5880;
	s20 =	simm.s32 $0x6080;
	s21 =	simm.s32 $0x6880  }
0x8: {  	s28 =	simm.s32 $0x4;
	s29 =	simm.s32 $0x5;
	s30 =	simm.s32 $0x6  }
0x9: {  	s31 =	simm.s32 $0x7;
	s4 =	sand.u32 $0x1, s2;
	s2 =	simm.s32 $0x0  }
0xa: {  	s6 =	sshll.u32 s0, $0x8;
	s7 =	sshll.u32 s4, $0x7;
	[smem:$0x7FF] =	sst s2  }
0xb: {  	s22 =	ssub.s32 $0x2, s4;
	s4 =	sadd.s32 $0x1C00, s1;
	s1 =	simm.s32 $0x8  }
0xc: {  	s6 =	sor.u32 s7, s6;
	_ =	strace $0x80000047;
	s24 =	sshrl.u32 s22, $0x1  }
0xd: {  	s7 =	sshrl.u32 s6, $0x3;
	s6 =	sshll.u32 s6, $0x5;
	s26 =	ssub.s32 s22, s24  }
0xe: {  	s22 =	simm.s32 $0x7080;
	s24 =	simm.s32 $0x1;
	s7 =	sadd.s32 s3, s7  }
0xf: {  	s3 =	sadd.s32 s5, s6;
	s6 =	smax.u32 s26, $0x1;
	s26 =	simm.s32 $0x3  }
0x10: {  	v2 =	vlaneseq.u32;
	[dreg:$0x4] =	wrdreg s7;
	s23 =	sadd.s32 $0x400, s3;
	s25 =	sadd.s32 $0x800, s3  }
0x11: {  	vm0 =	vmmov $0xffff;
	v1 =	vshrl.u32 v2, $0x3;
	s5 =	sadd.s32 $0xC00, s3;
	s7 =	simm.s32 $0x9;
	[dreg:$0x5] =	wrdreg s23  }
0x12: {  	v0 =	vand.u32 $0x7, v2;
	v2 =	vor.u32 $0x8, v2;
	v1 =	vmul.u32 $0x8, v1;
	[dreg:$0x6] =	wrdreg s25;
	s23 =	simm.s32 $0x7880;
	s25 =	simm.s32 $0x2  }
.LBB2_1:
0x13: {  	s0 =	rddreg [dreg:$0x4]  }
0x14: {  	[tilespmem:s2], [sflag:$0x9] =	stream.linear.gather [hbm4b:s0+s2], $0x80, $0x38;
	[tilespmem:$0x8080] =	vst v63  }
0x15: {  	_ =	swait.ge [sflag:s7], $0x80  }
0x16: {  	[sflag:s7] =	ssyncset.done $0x0  }
0x17: {  	[sflag:s7] =	ssyncadd.s32 $0xFFFFFF80  }
0x18: {  	v3 =	vld [tilespmem:$0x0];
	_ =	sdelay $0x4  }
0x19: {  	v4 =	vshll.u32 v3, $0x1  }
0x1a: {  	v3 =	vand.u32 $0x7, v3;
	v4 =	vand.u32 $0xFFFFFFF0, v4  }
0x1b: {  	v3 =	vor.u32 v3, v4  }
0x1c: {  	v4 =	vperm.xlane v3, v0;
	_ =	sdelay $0x1  }
0x1d: {  	v3 =	vperm.xlane v3, v2;
	v4 =	vadd.s32 v1, v4;
	_ =	sdelay $0x1  }
0x1e: {  	v3 =	vadd.s32 v1, v3;
	_ =	sdelay $0x2  }
0x1f: {  	[tilespmem:s8], [sflag:$0x1] =	stream.indirect_vreg.gather [hbm4b:s4+s2], $0x80, v4, vm0, $0xb8;
	[tilespmem:$0x8080] =	vst v63  }
0x20: {  	_ = 	snop  }
0x21: {  	[tilespmem:s9], [sflag:$0x1] =	stream.indirect_vreg.gather [hbm4b:s4+s2], $0x80, v3, vm0, $0xb8;
	[tilespmem:$0x8080] =	vst v63  }
0x22: {  	v3 =	vld [tilespmem:$0x10];
	_ =	sdelay $0x4  }
0x23: {  	v57 =	vshll.u32 v3, $0x1  }
0x24: {  	v3 =	vand.u32 $0x7, v3;
	v4 =	vand.u32 $0xFFFFFFF0, v57  }
0x25: {  	v3 =	vor.u32 v3, v4  }
0x26: {  	v4 =	vperm.xlane v3, v0;
	_ =	sdelay $0x1  }
0x27: {  	v3 =	vperm.xlane v3, v2;
	v4 =	vadd.s32 v1, v4;
	_ =	sdelay $0x1  }
0x28: {  	v3 =	vadd.s32 v1, v3;
	_ =	sdelay $0x2  }
0x29: {  	[tilespmem:s10], [sflag:$0x1] =	stream.indirect_vreg.gather [hbm4b:s4+s2], $0x80, v4, vm0, $0xb8;
	[tilespmem:$0x8080] =	vst v63  }
0x2a: {  	_ = 	snop  }
0x2b: {  	[tilespmem:s11], [sflag:$0x1] =	stream.indirect_vreg.gather [hbm4b:s4+s2], $0x80, v3, vm0, $0xb8;
	[tilespmem:$0x8080] =	vst v63  }
0x2c: {  	v3 =	vld [tilespmem:$0x20];
	_ =	sdelay $0x4  }
0x2d: {  	v58 =	vshll.u32 v3, $0x1  }
0x2e: {  	v3 =	vand.u32 $0x7, v3;
	v4 =	vand.u32 $0xFFFFFFF0, v58  }
0x2f: {  	v3 =	vor.u32 v3, v4  }
0x30: {  	v4 =	vperm.xlane v3, v0;
	_ =	sdelay $0x1  }
0x31: {  	v3 =	vperm.xlane v3, v2;
	v4 =	vadd.s32 v1, v4;
	_ =	sdelay $0x1  }
0x32: {  	v3 =	vadd.s32 v1, v3;
	_ =	sdelay $0x2  }
0x33: {  	[tilespmem:s12], [sflag:$0x2] =	stream.indirect_vreg.gather [hbm4b:s4+s2], $0x80, v4, vm0, $0xb8;
	[tilespmem:$0x8080] =	vst v63  }
0x34: {  	_ = 	snop  }
0x35: {  	[tilespmem:s13], [sflag:$0x2] =	stream.indirect_vreg.gather [hbm4b:s4+s2], $0x80, v3, vm0, $0xb8;
	[tilespmem:$0x8080] =	vst v63  }
0x36: {  	v3 =	vld [tilespmem:$0x30];
	_ =	sdelay $0x4  }
0x37: {  	v59 =	vshll.u32 v3, $0x1  }
0x38: {  	v3 =	vand.u32 $0x7, v3;
	v4 =	vand.u32 $0xFFFFFFF0, v59  }
0x39: {  	v3 =	vor.u32 v3, v4  }
0x3a: {  	v4 =	vperm.xlane v3, v0;
	_ =	sdelay $0x1  }
0x3b: {  	v3 =	vperm.xlane v3, v2;
	v4 =	vadd.s32 v1, v4;
	_ =	sdelay $0x1  }
0x3c: {  	v3 =	vadd.s32 v1, v3;
	_ =	sdelay $0x2  }
0x3d: {  	[tilespmem:s14], [sflag:$0x2] =	stream.indirect_vreg.gather [hbm4b:s4+s2], $0x80, v4, vm0, $0xb8;
	[tilespmem:$0x8080] =	vst v63  }
0x3e: {  	_ = 	snop  }
0x3f: {  	[tilespmem:s15], [sflag:$0x2] =	stream.indirect_vreg.gather [hbm4b:s4+s2], $0x80, v3, vm0, $0xb8;
	[tilespmem:$0x8080] =	vst v63  }
0x40: {  	v3 =	vld [tilespmem:$0x40];
	_ =	sdelay $0x4  }
0x41: {  	v60 =	vshll.u32 v3, $0x1  }
0x42: {  	v3 =	vand.u32 $0x7, v3;
	v4 =	vand.u32 $0xFFFFFFF0, v60  }
0x43: {  	v3 =	vor.u32 v3, v4  }
0x44: {  	v4 =	vperm.xlane v3, v0;
	_ =	sdelay $0x1  }
0x45: {  	v3 =	vperm.xlane v3, v2;
	v4 =	vadd.s32 v1, v4;
	_ =	sdelay $0x1  }
0x46: {  	v3 =	vadd.s32 v1, v3;
	_ =	sdelay $0x2  }
0x47: {  	[tilespmem:s16], [sflag:$0x3] =	stream.indirect_vreg.gather [hbm4b:s4+s2], $0x80, v4, vm0, $0xb8;
	[tilespmem:$0x8080] =	vst v63  }
0x48: {  	_ = 	snop  }
0x49: {  	[tilespmem:s17], [sflag:$0x3] =	stream.indirect_vreg.gather [hbm4b:s4+s2], $0x80, v3, vm0, $0xb8;
	[tilespmem:$0x8080] =	vst v63  }
0x4a: {  	v3 =	vld [tilespmem:$0x50];
	_ =	sdelay $0x4  }
0x4b: {  	v61 =	vshll.u32 v3, $0x1  }
0x4c: {  	v3 =	vand.u32 $0x7, v3;
	v4 =	vand.u32 $0xFFFFFFF0, v61  }
0x4d: {  	v3 =	vor.u32 v3, v4  }
0x4e: {  	v4 =	vperm.xlane v3, v0;
	_ =	sdelay $0x1  }
0x4f: {  	v3 =	vperm.xlane v3, v2;
	v4 =	vadd.s32 v1, v4;
	_ =	sdelay $0x1  }
0x50: {  	v3 =	vadd.s32 v1, v3;
	_ =	sdelay $0x2  }
0x51: {  	[tilespmem:s18], [sflag:$0x3] =	stream.indirect_vreg.gather [hbm4b:s4+s2], $0x80, v4, vm0, $0xb8;
	[tilespmem:$0x8080] =	vst v63  }
0x52: {  	_ = 	snop  }
0x53: {  	[tilespmem:s19], [sflag:$0x3] =	stream.indirect_vreg.gather [hbm4b:s4+s2], $0x80, v3, vm0, $0xb8;
	[tilespmem:$0x8080] =	vst v63  }
0x54: {  	v3 =	vld [tilespmem:$0x60];
	_ =	sdelay $0x4  }
0x55: {  	v62 =	vshll.u32 v3, $0x1  }
0x56: {  	v3 =	vand.u32 $0x7, v3;
	v4 =	vand.u32 $0xFFFFFFF0, v62  }
0x57: {  	v3 =	vor.u32 v3, v4  }
0x58: {  	v4 =	vperm.xlane v3, v0;
	_ =	sdelay $0x1  }
0x59: {  	v3 =	vperm.xlane v3, v2;
	v4 =	vadd.s32 v1, v4;
	_ =	sdelay $0x1  }
0x5a: {  	v3 =	vadd.s32 v1, v3;
	_ =	sdelay $0x2  }
0x5b: {  	[tilespmem:s20], [sflag:$0x4] =	stream.indirect_vreg.gather [hbm4b:s4+s2], $0x80, v4, vm0, $0xb8;
	[tilespmem:$0x8080] =	vst v63  }
0x5c: {  	_ = 	snop  }
0x5d: {  	[tilespmem:s21], [sflag:$0x4] =	stream.indirect_vreg.gather [hbm4b:s4+s2], $0x80, v3, vm0, $0xb8;
	[tilespmem:$0x8080] =	vst v63  }
0x5e: {  	v3 =	vld [tilespmem:$0x70];
	_ =	sdelay $0x4  }
0x5f: {  	v63 =	vshll.u32 v3, $0x1  }
0x60: {  	v3 =	vand.u32 $0x7, v3;
	v4 =	vand.u32 $0xFFFFFFF0, v63  }
0x61: {  	v3 =	vor.u32 v3, v4  }
0x62: {  	v4 =	vperm.xlane v3, v0;
	_ =	sdelay $0x1  }
0x63: {  	v3 =	vperm.xlane v3, v2;
	v4 =	vadd.s32 v1, v4;
	_ =	sdelay $0x1  }
0x64: {  	v3 =	vadd.s32 v1, v3;
	_ =	sdelay $0x2  }
0x65: {  	[tilespmem:s22], [sflag:$0x4] =	stream.indirect_vreg.gather [hbm4b:s4+s2], $0x80, v4, vm0, $0xb8;
	[tilespmem:$0x8080] =	vst v63  }
0x66: {  	_ = 	snop  }
0x67: {  	[tilespmem:s23], [sflag:$0x4] =	stream.indirect_vreg.gather [hbm4b:s4+s2], $0x80, v3, vm0, $0xb8;
	[tilespmem:$0x8080] =	vst v63  }
0x68: {  	_ =	swait.ge [sflag:s24], $0x2000  }
0x69: {  	[sflag:s24] =	ssyncset.done $0x0  }
0x6a: {  	[sflag:s24] =	ssyncadd.s32 $0xFFFFE000  }
0x6b: {  	[hbm4b:s3+s2] =	stream.linear.scatter [tilespmem:s8], [sflag:$0x5], $0x2000, $0x38;
	[tilespmem:$0x8080] =	vst v63  }
0x6c: {  	_ =	swait.ge [sflag:s25], $0x2000  }
0x6d: {  	[sflag:s25] =	ssyncset.done $0x0  }
0x6e: {  	s0 =	rddreg [dreg:$0x5];
	[sflag:s25] =	ssyncadd.s32 $0xFFFFE000  }
0x6f: {  	[hbm4b:s0+s2] =	stream.linear.scatter [tilespmem:s12], [sflag:$0x6], $0x2000, $0x38;
	[tilespmem:$0x8080] =	vst v63  }
0x70: {  	_ =	swait.ge [sflag:s26], $0x2000  }
0x71: {  	[sflag:s26] =	ssyncset.done $0x0  }
0x72: {  	s0 =	rddreg [dreg:$0x6];
	[sflag:s26] =	ssyncadd.s32 $0xFFFFE000  }
0x73: {  	[hbm4b:s0+s2] =	stream.linear.scatter [tilespmem:s16], [sflag:$0x7], $0x2000, $0x38;
	[tilespmem:$0x8080] =	vst v63  }
0x74: {  	_ =	swait.ge [sflag:s28], $0x2000  }
0x75: {  	[sflag:s28] =	ssyncset.done $0x0  }
0x76: {  	[sflag:s28] =	ssyncadd.s32 $0xFFFFE000  }
0x77: {  	[hbm4b:s5+s2] =	stream.linear.scatter [tilespmem:s20], [sflag:$0x8], $0x2000, $0x38;
	[tilespmem:$0x8080] =	vst v63  }
0x78: {  	_ =	swait.ge [sflag:s29], $0x2000  }
0x79: {  	[sflag:s29] =	ssyncset.done $0x0  }
0x7a: {  	[sflag:s29] =	ssyncadd.s32 $0xFFFFE000  }
0x7b: {  	_ =	swait.ge [sflag:s30], $0x2000  }
0x7c: {  	[sflag:s30] =	ssyncset.done $0x0  }
0x7d: {  	[sflag:s30] =	ssyncadd.s32 $0xFFFFE000  }
0x7e: {  	p0 =	sne.s32 s6, $0x1;
	_ =	swait.ge [sflag:s31], $0x2000  }
.Ltmp0:
0x7f: {  	[sflag:s31] =	ssyncset.done $0x0;
	(pc) =	sbr.rel @p0 .LBB2_1-.Ltmp0, $4  }
0x80: {  	[sflag:s31] =	ssyncadd.s32 $0xFFFFE000  }
0x81: {  	_ =	swait.ge [sflag:s1], $0x2000  }
0x82: {  	[sflag:s1] =	ssyncset.done $0x0  }
0x83: {  	s6 =	sadd.s32 $0xFFFFFFFF, s6;
	[sflag:s1] =	ssyncadd.s32 $0xFFFFE000  }
0x84: {  	_ =	sfence.sel $0x180000  }
0x85: {  	[bflag:$0x0] =	sbarrier.arrive $0xFFFF  }
0x86: {  	_ =	strace $0x90000047  }
0x87: {  	s0 =	stileid.u32;
	[bflag:$0x2] =	sbarrier.arrive $0xFFFF  }
0x88: {  	p0 =	sne.s32 s0, $0x0;
	s0 =	rddreg [dreg:$0x3]  }
0x89: {  	s0 =	sadd.s32 @!p0 $0x100000, s0  }
0x8a: {  	[sflag:s0] =	ssyncadd.tile.s32 @!p0 $0x1;
	_ =	shalt  }
.Lfunc_end2:
_tile_overlayer_lowered:
.L_overlay_start_2:
0x8b: {  	(tag) =	ssettag $0x2  }
0x8c: {  	s0 =	rddreg [dreg:$0x0];
	s2 =	stileid.u32  }
0x8d: {  	s1 =	rddreg [dreg:$0x1];
	p0 =	sne.s32 s2, $0x0  }
0x8e: {  	s3 =	rddreg [dreg:$0x2];
	[bflag:$0x3] =	sbarrier.arrive $0xFFFF;
	s2 =	simm.s32 @!p0 $0x1C09  }
0x8f: {  	[timem:s3], [sflag:s2] =	dma.local @!p0 [hbm:s0], s1  }
0x90: {  	s0 =	simm.s32 @!p0 $0x9  }
0x91: {  	_ =	swait.ge @!p0 [sflag:s0], s1  }
0x92: {  	s1 =	ssub.s32 @!p0 $0x0, s1;
	[sflag:s0] =	ssyncset.done @!p0 $0x0  }
0x93: {  	[sflag:s0] =	ssyncadd.s32 @!p0 s1  }
0x94: {  	[bflag:$0x3] =	sbarrier.arrive $0xFFFF  }
0x95: {  	_ =	shalt  }

</sc_bundles>
